<compile_context>
chip_gen: v7x
topology: tpu7x:2x2x1
jax: 0.10.2.dev20260603
libtpu: 0.0.44.dev20260713+nightly
codegen_flags: <defaults>
</compile_context>

<pallas_src>
import jax
import jax.numpy as jnp
from jax import lax
from jax.experimental import pallas as pl
from jax.experimental.pallas import tpu as pltpu
from jax.experimental.pallas import tpu_sc as plsc

_B, _S, _D = 4, 4096, 2048
_NC, _NS = 2, 16
_NW = _NC * _NS
_SPW = _S // _NW
_C = 8
_NCHUNK = _SPW // _C
_NITEM = _NCHUNK * _B


def _sc_body(x_hbm, pe_hbm, out_hbm, x_v, pe_v, in_sem, out_sem, pe_sem):
    wid = lax.axis_index("s") * _NC + lax.axis_index("c")
    s0 = wid * _SPW

    def x_slice(k):
        c = k >> 2
        b = k & 3
        return x_hbm.at[b, pl.ds(s0 + c * _C, _C)]

    def out_slice(k):
        c = k >> 2
        b = k & 3
        return out_hbm.at[b, pl.ds(s0 + c * _C, _C)]

    pltpu.async_copy(pe_hbm.at[pl.ds(s0, _C)], pe_v.at[0], pe_sem.at[0])
    pltpu.async_copy(x_slice(0), x_v.at[0], in_sem.at[0])
    pltpu.async_copy(x_slice(1), x_v.at[1], in_sem.at[1])
    pltpu.async_copy(x_slice(2), x_v.at[2], in_sem.at[2])

    def item(k, carry):
        c = k >> 2
        b = k & 3
        r = k & 3
        cp = c & 1

        @pl.when(b == 0)
        def _():
            @pl.when(c + 1 < _NCHUNK)
            def _():
                pltpu.async_copy(
                    pe_hbm.at[pl.ds(s0 + (c + 1) * _C, _C)],
                    pe_v.at[1 - cp],
                    pe_sem.at[1 - cp],
                )
            pltpu.make_async_copy(
                pe_hbm.at[pl.ds(s0 + c * _C, _C)], pe_v.at[cp], pe_sem.at[cp]
            ).wait()

        pltpu.make_async_copy(x_slice(k), x_v.at[r], in_sem.at[r]).wait()

        @pl.when(k + 3 < _NITEM)
        def _():
            q = (k + 3) & 3

            @pl.when(k >= 1)
            def _():
                pltpu.make_async_copy(
                    x_v.at[q], out_slice(k - 1), out_sem.at[q]
                ).wait()

            pltpu.async_copy(x_slice(k + 3), x_v.at[q], in_sem.at[q])

        c_out = out_slice(k)
        for rr in range(_C):

            @plsc.parallel_loop(0, _D, step=16, unroll=8)
            def add(cc):
                cc = pl.multiple_of(cc, 16)
                x_v[r, rr, pl.ds(cc, 16)] = (
                    x_v[r, rr, pl.ds(cc, 16)] + pe_v[cp, rr, pl.ds(cc, 16)]
                )

            pltpu.async_copy(x_v.at[r, rr], c_out.at[rr], out_sem.at[r])
        return carry

    lax.fori_loop(0, _NITEM, item, None)

    for k in (_NITEM - 4, _NITEM - 3, _NITEM - 2, _NITEM - 1):
        r = k & 3
        pltpu.make_async_copy(x_v.at[r], out_slice(k), out_sem.at[r]).wait()


def kernel(x, pe_weight):
    B, S, D = x.shape
    mesh = plsc.VectorSubcoreMesh(core_axis_name="c", subcore_axis_name="s")
    return pl.kernel(
        _sc_body,
        out_type=jax.ShapeDtypeStruct((B, S, D), jnp.float32),
        mesh=mesh,
        scratch_types=[
            pltpu.VMEM((4, _C, _D), jnp.float32),
            pltpu.VMEM((2, _C, _D), jnp.float32),
            pltpu.SemaphoreType.DMA((4,)),
            pltpu.SemaphoreType.DMA((4,)),
            pltpu.SemaphoreType.DMA((2,)),
        ],
        compiler_params=pltpu.CompilerParams(use_tc_tiling_on_sc=True),
    )(x, pe_weight)

# --- scband reference (transcript-rebuilt; emitter-appended) ---
"""Pipeline reference for scband-learnable-pe-65214783423021 (READ-ONLY COPY).

The authoritative reference and input builder live on the scoring server;
editing this copy changes nothing except your own understanding.
"""

import math
import jax, jax.numpy as jnp
import numpy as np

SEQ_LEN = 4096
D_MODEL = 2048

def _sinusoidal_table(L, D):
    pos = np.arange(L, dtype=np.float32)[:, None]
    div = np.exp(np.arange(0, D, 2, dtype=np.float32) * (-math.log(10000.0) / D))
    pe = np.zeros((L, D), dtype=np.float32)
    pe[:, 0::2] = np.sin(pos * div)
    pe[:, 1::2] = np.cos(pos * div[: D // 2])
    return jnp.asarray(pe)

def setup_inputs(seed: int = 0) -> dict:
    key = jax.random.key(seed)
    kx, = jax.random.split(key, 1)
    x = jax.random.normal(kx, (4, SEQ_LEN, D_MODEL), dtype=jnp.float32)
    pe_weight = _sinusoidal_table(SEQ_LEN, D_MODEL)
    return {"x": x, "pe_weight": pe_weight}

def reference(x, pe_weight):
    # forward: x + pe(arange(x.shape[1])); dropout is identity in eval/reference
    S = x.shape[1]
    idx = jnp.arange(S)
    pe = jnp.take(pe_weight, idx, axis=0)  # [S, D] embedding gather
    return x + pe[None, :, :]

if __name__ == "__main__":
    import jax
    _d = setup_inputs()
    print(jax.jit(kernel)(*tuple(_d.values())))

</pallas_src>

<mosaic_0001>
#map = affine_map<(d0, d1) -> (0, 0, 0)>
#map1 = affine_map<(d0, d1) -> (0, 0)>
module attributes {stable_mosaic.version = 14 : i64} {
  func.func @_sc_body(%arg0: i32, %arg1: i32, %arg2: memref<4x4096x2048xf32, #tpu.memory_space<hbm>>, %arg3: memref<4096x2048xf32, #tpu.memory_space<hbm>>, %arg4: memref<4x4096x2048xf32, #tpu.memory_space<hbm>>, %arg5: memref<4x8x2048xf32, #tpu.memory_space<vmem>>, %arg6: memref<2x8x2048xf32, #tpu.memory_space<vmem>>, %arg7: memref<4x!tpu.dma_semaphore, #tpu.memory_space<semaphore_mem>>, %arg8: memref<4x!tpu.dma_semaphore, #tpu.memory_space<semaphore_mem>>, %arg9: memref<2x!tpu.dma_semaphore, #tpu.memory_space<semaphore_mem>>) attributes {dimension_semantics = [#tpu.dimension_semantics<core_parallel>, #tpu.dimension_semantics<subcore_parallel>], iteration_bounds = array<i64: 2, 16>, scalar_prefetch = 0 : i64, scratch_operands = 5 : i64, tpu.core_type = #tpu.core_type<sc_vector_subcore>, window_params = [{transform_indices = #map}, {transform_indices = #map1}, {transform_indices = #map}]} {
    %mul3A = arith.constant 2 : i32
    %mul3A_0 = arith.muli %arg1, %mul3A : i32
    %add3A = arith.addi %mul3A_0, %arg0 : i32
    %mul3A_1 = arith.constant 128 : i32
    %mul3A_2 = arith.muli %add3A, %mul3A_1 : i32
    %dma_start3A = arith.constant 0 : i32
    %dma_start3A_3 = arith.constant 0 : i32
    %dma_start3A_4 = arith.constant 0 : i32
    %dma_start3A_5 = arith.constant 0 : i32
    %dma_start3A_6 = tpu.memref_slice %arg6[%dma_start3A, %dma_start3A_4, %dma_start3A_5] : memref<2x8x2048xf32, #tpu.memory_space<vmem>> -> memref<1x8x2048xf32, #tpu.memory_space<vmem>>
    %dma_start3A_7 = tpu.memref_squeeze %dma_start3A_6 : memref<1x8x2048xf32, #tpu.memory_space<vmem>> -> memref<8x2048xf32, #tpu.memory_space<vmem>>
    %dma_start3A_8 = arith.constant 0 : i32
    %dma_start3A_9 = tpu.memref_slice %arg3[%mul3A_2, %dma_start3A_8] : memref<4096x2048xf32, #tpu.memory_space<hbm>> -> memref<8x2048xf32, #tpu.memory_space<hbm>>
    %dma_start3A_10 = tpu.memref_slice %arg9[%dma_start3A_3] : memref<2x!tpu.dma_semaphore, #tpu.memory_space<semaphore_mem>> -> memref<1x!tpu.dma_semaphore, #tpu.memory_space<semaphore_mem>>
    %dma_start3A_11 = tpu.memref_squeeze %dma_start3A_10 : memref<1x!tpu.dma_semaphore, #tpu.memory_space<semaphore_mem>> -> memref<!tpu.dma_semaphore, #tpu.memory_space<semaphore_mem>>
    %dma_start3A_12 = arith.constant 0 : i32
    %dma_start3A_13 = arith.constant 0 : i32
    %dma_start3A_14 = tpu.memref_slice %arg6[%dma_start3A, %dma_start3A_12, %dma_start3A_13] : memref<2x8x2048xf32, #tpu.memory_space<vmem>> -> memref<1x8x2048xf32, #tpu.memory_space<vmem>>
    %dma_start3A_15 = tpu.memref_squeeze %dma_start3A_14 : memref<1x8x2048xf32, #tpu.memory_space<vmem>> -> memref<8x2048xf32, #tpu.memory_space<vmem>>
    %dma_start3A_16 = arith.constant 0 : i32
    %dma_start3A_17 = tpu.memref_slice %arg3[%mul3A_2, %dma_start3A_16] : memref<4096x2048xf32, #tpu.memory_space<hbm>> -> memref<8x2048xf32, #tpu.memory_space<hbm>>
    tpu.enqueue_dma source(%dma_start3A_17 : memref<8x2048xf32, #tpu.memory_space<hbm>>) target(%dma_start3A_15 : memref<8x2048xf32, #tpu.memory_space<vmem>>) target_semaphore(%dma_start3A_11 : memref<!tpu.dma_semaphore, #tpu.memory_space<semaphore_mem>>)
    %add3A_18 = arith.constant 0 : i32
    %add3A_19 = arith.addi %mul3A_2, %add3A_18 : i32
    %dma_start3A_20 = arith.constant 0 : i32
    %dma_start3A_21 = arith.constant 0 : i32
    %dma_start3A_22 = arith.constant 0 : i32
    %dma_start3A_23 = arith.constant 0 : i32
    %dma_start3A_24 = arith.constant 0 : i32
    %dma_start3A_25 = tpu.memref_slice %arg5[%dma_start3A_21, %dma_start3A_23, %dma_start3A_24] : memref<4x8x2048xf32, #tpu.memory_space<vmem>> -> memref<1x8x2048xf32, #tpu.memory_space<vmem>>
    %dma_start3A_26 = tpu.memref_squeeze %dma_start3A_25 : memref<1x8x2048xf32, #tpu.memory_space<vmem>> -> memref<8x2048xf32, #tpu.memory_space<vmem>>
    %dma_start3A_27 = arith.constant 0 : i32
    %dma_start3A_28 = tpu.memref_slice %arg2[%dma_start3A_20, %add3A_19, %dma_start3A_27] : memref<4x4096x2048xf32, #tpu.memory_space<hbm>> -> memref<1x8x2048xf32, #tpu.memory_space<hbm>>
    %dma_start3A_29 = tpu.memref_squeeze %dma_start3A_28 : memref<1x8x2048xf32, #tpu.memory_space<hbm>> -> memref<8x2048xf32, #tpu.memory_space<hbm>>
    %dma_start3A_30 = tpu.memref_slice %arg7[%dma_start3A_22] : memref<4x!tpu.dma_semaphore, #tpu.memory_space<semaphore_mem>> -> memref<1x!tpu.dma_semaphore, #tpu.memory_space<semaphore_mem>>
    %dma_start3A_31 = tpu.memref_squeeze %dma_start3A_30 : memref<1x!tpu.dma_semaphore, #tpu.memory_space<semaphore_mem>> -> memref<!tpu.dma_semaphore, #tpu.memory_space<semaphore_mem>>
    %dma_start3A_32 = arith.constant 0 : i32
    %dma_start3A_33 = arith.constant 0 : i32
    %dma_start3A_34 = tpu.memref_slice %arg5[%dma_start3A_21, %dma_start3A_32, %dma_start3A_33] : memref<4x8x2048xf32, #tpu.memory_space<vmem>> -> memref<1x8x2048xf32, #tpu.memory_space<vmem>>
    %dma_start3A_35 = tpu.memref_squeeze %dma_start3A_34 : memref<1x8x2048xf32, #tpu.memory_space<vmem>> -> memref<8x2048xf32, #tpu.memory_space<vmem>>
    %dma_start3A_36 = arith.constant 0 : i32
    %dma_start3A_37 = tpu.memref_slice %arg2[%dma_start3A_20, %add3A_19, %dma_start3A_36] : memref<4x4096x2048xf32, #tpu.memory_space<hbm>> -> memref<1x8x2048xf32, #tpu.memory_space<hbm>>
    %dma_start3A_38 = tpu.memref_squeeze %dma_start3A_37 : memref<1x8x2048xf32, #tpu.memory_space<hbm>> -> memref<8x2048xf32, #tpu.memory_space<hbm>>
    tpu.enqueue_dma source(%dma_start3A_38 : memref<8x2048xf32, #tpu.memory_space<hbm>>) target(%dma_start3A_35 : memref<8x2048xf32, #tpu.memory_space<vmem>>) target_semaphore(%dma_start3A_31 : memref<!tpu.dma_semaphore, #tpu.memory_space<semaphore_mem>>)
    %add3A_39 = arith.constant 0 : i32
    %add3A_40 = arith.addi %mul3A_2, %add3A_39 : i32
    %dma_start3A_41 = arith.constant 1 : i32
    %dma_start3A_42 = arith.constant 1 : i32
    %dma_start3A_43 = arith.constant 1 : i32
    %dma_start3A_44 = arith.constant 0 : i32
    %dma_start3A_45 = arith.constant 0 : i32
    %dma_start3A_46 = tpu.memref_slice %arg5[%dma_start3A_42, %dma_start3A_44, %dma_start3A_45] : memref<4x8x2048xf32, #tpu.memory_space<vmem>> -> memref<1x8x2048xf32, #tpu.memory_space<vmem>>
    %dma_start3A_47 = tpu.memref_squeeze %dma_start3A_46 : memref<1x8x2048xf32, #tpu.memory_space<vmem>> -> memref<8x2048xf32, #tpu.memory_space<vmem>>
    %dma_start3A_48 = arith.constant 0 : i32
    %dma_start3A_49 = tpu.memref_slice %arg2[%dma_start3A_41, %add3A_40, %dma_start3A_48] : memref<4x4096x2048xf32, #tpu.memory_space<hbm>> -> memref<1x8x2048xf32, #tpu.memory_space<hbm>>
    %dma_start3A_50 = tpu.memref_squeeze %dma_start3A_49 : memref<1x8x2048xf32, #tpu.memory_space<hbm>> -> memref<8x2048xf32, #tpu.memory_space<hbm>>
    %dma_start3A_51 = tpu.memref_slice %arg7[%dma_start3A_43] : memref<4x!tpu.dma_semaphore, #tpu.memory_space<semaphore_mem>> -> memref<1x!tpu.dma_semaphore, #tpu.memory_space<semaphore_mem>>
    %dma_start3A_52 = tpu.memref_squeeze %dma_start3A_51 : memref<1x!tpu.dma_semaphore, #tpu.memory_space<semaphore_mem>> -> memref<!tpu.dma_semaphore, #tpu.memory_space<semaphore_mem>>
    %dma_start3A_53 = arith.constant 0 : i32
    %dma_start3A_54 = arith.constant 0 : i32
    %dma_start3A_55 = tpu.memref_slice %arg5[%dma_start3A_42, %dma_start3A_53, %dma_start3A_54] : memref<4x8x2048xf32, #tpu.memory_space<vmem>> -> memref<1x8x2048xf32, #tpu.memory_space<vmem>>
    %dma_start3A_56 = tpu.memref_squeeze %dma_start3A_55 : memref<1x8x2048xf32, #tpu.memory_space<vmem>> -> memref<8x2048xf32, #tpu.memory_space<vmem>>
    %dma_start3A_57 = arith.constant 0 : i32
    %dma_start3A_58 = tpu.memref_slice %arg2[%dma_start3A_41, %add3A_40, %dma_start3A_57] : memref<4x4096x2048xf32, #tpu.memory_space<hbm>> -> memref<1x8x2048xf32, #tpu.memory_space<hbm>>
    %dma_start3A_59 = tpu.memref_squeeze %dma_start3A_58 : memref<1x8x2048xf32, #tpu.memory_space<hbm>> -> memref<8x2048xf32, #tpu.memory_space<hbm>>
    tpu.enqueue_dma source(%dma_start3A_59 : memref<8x2048xf32, #tpu.memory_space<hbm>>) target(%dma_start3A_56 : memref<8x2048xf32, #tpu.memory_space<vmem>>) target_semaphore(%dma_start3A_52 : memref<!tpu.dma_semaphore, #tpu.memory_space<semaphore_mem>>)
    %add3A_60 = arith.constant 0 : i32
    %add3A_61 = arith.addi %mul3A_2, %add3A_60 : i32
    %dma_start3A_62 = arith.constant 2 : i32
    %dma_start3A_63 = arith.constant 2 : i32
    %dma_start3A_64 = arith.constant 2 : i32
    %dma_start3A_65 = arith.constant 0 : i32
    %dma_start3A_66 = arith.constant 0 : i32
    %dma_start3A_67 = tpu.memref_slice %arg5[%dma_start3A_63, %dma_start3A_65, %dma_start3A_66] : memref<4x8x2048xf32, #tpu.memory_space<vmem>> -> memref<1x8x2048xf32, #tpu.memory_space<vmem>>
    %dma_start3A_68 = tpu.memref_squeeze %dma_start3A_67 : memref<1x8x2048xf32, #tpu.memory_space<vmem>> -> memref<8x2048xf32, #tpu.memory_space<vmem>>
    %dma_start3A_69 = arith.constant 0 : i32
    %dma_start3A_70 = tpu.memref_slice %arg2[%dma_start3A_62, %add3A_61, %dma_start3A_69] : memref<4x4096x2048xf32, #tpu.memory_space<hbm>> -> memref<1x8x2048xf32, #tpu.memory_space<hbm>>
    %dma_start3A_71 = tpu.memref_squeeze %dma_start3A_70 : memref<1x8x2048xf32, #tpu.memory_space<hbm>> -> memref<8x2048xf32, #tpu.memory_space<hbm>>
    %dma_start3A_72 = tpu.memref_slice %arg7[%dma_start3A_64] : memref<4x!tpu.dma_semaphore, #tpu.memory_space<semaphore_mem>> -> memref<1x!tpu.dma_semaphore, #tpu.memory_space<semaphore_mem>>
    %dma_start3A_73 = tpu.memref_squeeze %dma_start3A_72 : memref<1x!tpu.dma_semaphore, #tpu.memory_space<semaphore_mem>> -> memref<!tpu.dma_semaphore, #tpu.memory_space<semaphore_mem>>
    %dma_start3A_74 = arith.constant 0 : i32
    %dma_start3A_75 = arith.constant 0 : i32
    %dma_start3A_76 = tpu.memref_slice %arg5[%dma_start3A_63, %dma_start3A_74, %dma_start3A_75] : memref<4x8x2048xf32, #tpu.memory_space<vmem>> -> memref<1x8x2048xf32, #tpu.memory_space<vmem>>
    %dma_start3A_77 = tpu.memref_squeeze %dma_start3A_76 : memref<1x8x2048xf32, #tpu.memory_space<vmem>> -> memref<8x2048xf32, #tpu.memory_space<vmem>>
    %dma_start3A_78 = arith.constant 0 : i32
    %dma_start3A_79 = tpu.memref_slice %arg2[%dma_start3A_62, %add3A_61, %dma_start3A_78] : memref<4x4096x2048xf32, #tpu.memory_space<hbm>> -> memref<1x8x2048xf32, #tpu.memory_space<hbm>>
    %dma_start3A_80 = tpu.memref_squeeze %dma_start3A_79 : memref<1x8x2048xf32, #tpu.memory_space<hbm>> -> memref<8x2048xf32, #tpu.memory_space<hbm>>
    tpu.enqueue_dma source(%dma_start3A_80 : memref<8x2048xf32, #tpu.memory_space<hbm>>) target(%dma_start3A_77 : memref<8x2048xf32, #tpu.memory_space<vmem>>) target_semaphore(%dma_start3A_73 : memref<!tpu.dma_semaphore, #tpu.memory_space<semaphore_mem>>)
    %scan3A = arith.constant 0 : i32
    %scan3A_81 = arith.constant 64 : i32
    %scan3A_82 = arith.addi %scan3A, %scan3A_81 : i32
    %scan3A_83 = arith.constant 1 : i32
    scf.for %scan3A_168 = %scan3A to %scan3A_82 step %scan3A_83  : i32 {
      %shift_right_arithmetic3A = arith.constant 2 : i32
      %shift_right_arithmetic3A_169 = arith.shrsi %scan3A_168, %shift_right_arithmetic3A : i32
      %and3A = arith.constant 3 : i32
      %and3A_170 = arith.andi %scan3A_168, %and3A : i32
      %and3A_171 = arith.constant 3 : i32
      %and3A_172 = arith.andi %scan3A_168, %and3A_171 : i32
      %and3A_173 = arith.constant 1 : i32
      %and3A_174 = arith.andi %shift_right_arithmetic3A_169, %and3A_173 : i32
      %eq3A = arith.constant 0 : i32
      %eq3A_175 = arith.cmpi eq, %and3A_170, %eq3A : i32
      %convert_element_type3A = arith.extui %eq3A_175 : i1 to i32
      %cond3A = arith.constant 0 : i32
      %cond3A_176 = arith.cmpi ne, %convert_element_type3A, %cond3A : i32
      scf.if %cond3A_176 {
        %add3A_412 = arith.constant 1 : i32
        %add3A_413 = arith.addi %shift_right_arithmetic3A_169, %add3A_412 : i32
        %lt3A_414 = arith.constant 16 : i32
        %lt3A_415 = arith.cmpi slt, %add3A_413, %lt3A_414 : i32
        %convert_element_type3A_416 = arith.extui %lt3A_415 : i1 to i32
        %cond3A_417 = arith.constant 0 : i32
        %cond3A_418 = arith.cmpi ne, %convert_element_type3A_416, %cond3A_417 : i32
        scf.if %cond3A_418 {
          %add3A_436 = arith.constant 1 : i32
          %add3A_437 = arith.addi %shift_right_arithmetic3A_169, %add3A_436 : i32
          %mul3A_438 = arith.constant 8 : i32
          %mul3A_439 = arith.muli %add3A_437, %mul3A_438 : i32
          %add3A_440 = arith.addi %mul3A_2, %mul3A_439 : i32
          %sub3A = arith.constant 1 : i32
          %sub3A_441 = arith.subi %sub3A, %and3A_174 : i32
          %sub3A_442 = arith.constant 1 : i32
          %sub3A_443 = arith.subi %sub3A_442, %and3A_174 : i32
          %dma_start3A_444 = arith.constant 0 : i32
          %dma_start3A_445 = arith.constant 0 : i32
          %dma_start3A_446 = tpu.memref_slice %arg6[%sub3A_441, %dma_start3A_444, %dma_start3A_445] : memref<2x8x2048xf32, #tpu.memory_space<vmem>> -> memref<1x8x2048xf32, #tpu.memory_space<vmem>>
          %dma_start3A_447 = tpu.memref_squeeze %dma_start3A_446 : memref<1x8x2048xf32, #tpu.memory_space<vmem>> -> memref<8x2048xf32, #tpu.memory_space<vmem>>
          %dma_start3A_448 = arith.constant 0 : i32
          %dma_start3A_449 = tpu.memref_slice %arg3[%add3A_440, %dma_start3A_448] : memref<4096x2048xf32, #tpu.memory_space<hbm>> -> memref<8x2048xf32, #tpu.memory_space<hbm>>
          %dma_start3A_450 = tpu.memref_slice %arg9[%sub3A_443] : memref<2x!tpu.dma_semaphore, #tpu.memory_space<semaphore_mem>> -> memref<1x!tpu.dma_semaphore, #tpu.memory_space<semaphore_mem>>
          %dma_start3A_451 = tpu.memref_squeeze %dma_start3A_450 : memref<1x!tpu.dma_semaphore, #tpu.memory_space<semaphore_mem>> -> memref<!tpu.dma_semaphore, #tpu.memory_space<semaphore_mem>>
          %dma_start3A_452 = arith.constant 0 : i32
          %dma_start3A_453 = arith.constant 0 : i32
          %dma_start3A_454 = tpu.memref_slice %arg6[%sub3A_441, %dma_start3A_452, %dma_start3A_453] : memref<2x8x2048xf32, #tpu.memory_space<vmem>> -> memref<1x8x2048xf32, #tpu.memory_space<vmem>>
          %dma_start3A_455 = tpu.memref_squeeze %dma_start3A_454 : memref<1x8x2048xf32, #tpu.memory_space<vmem>> -> memref<8x2048xf32, #tpu.memory_space<vmem>>
          %dma_start3A_456 = arith.constant 0 : i32
          %dma_start3A_457 = tpu.memref_slice %arg3[%add3A_440, %dma_start3A_456] : memref<4096x2048xf32, #tpu.memory_space<hbm>> -> memref<8x2048xf32, #tpu.memory_space<hbm>>
          tpu.enqueue_dma source(%dma_start3A_457 : memref<8x2048xf32, #tpu.memory_space<hbm>>) target(%dma_start3A_455 : memref<8x2048xf32, #tpu.memory_space<vmem>>) target_semaphore(%dma_start3A_451 : memref<!tpu.dma_semaphore, #tpu.memory_space<semaphore_mem>>)
        } else {
        }
        %mul3A_419 = arith.constant 8 : i32
        %mul3A_420 = arith.muli %shift_right_arithmetic3A_169, %mul3A_419 : i32
        %add3A_421 = arith.addi %mul3A_2, %mul3A_420 : i32
        %dma_wait3A_422 = arith.constant 0 : i32
        %dma_wait3A_423 = arith.constant 0 : i32
        %dma_wait3A_424 = tpu.memref_slice %arg6[%and3A_174, %dma_wait3A_422, %dma_wait3A_423] : memref<2x8x2048xf32, #tpu.memory_space<vmem>> -> memref<1x8x2048xf32, #tpu.memory_space<vmem>>
        %dma_wait3A_425 = tpu.memref_squeeze %dma_wait3A_424 : memref<1x8x2048xf32, #tpu.memory_space<vmem>> -> memref<8x2048xf32, #tpu.memory_space<vmem>>
        %dma_wait3A_426 = arith.constant 0 : i32
        %dma_wait3A_427 = tpu.memref_slice %arg3[%add3A_421, %dma_wait3A_426] : memref<4096x2048xf32, #tpu.memory_space<hbm>> -> memref<8x2048xf32, #tpu.memory_space<hbm>>
        %dma_wait3A_428 = tpu.memref_slice %arg9[%and3A_174] : memref<2x!tpu.dma_semaphore, #tpu.memory_space<semaphore_mem>> -> memref<1x!tpu.dma_semaphore, #tpu.memory_space<semaphore_mem>>
        %dma_wait3A_429 = tpu.memref_squeeze %dma_wait3A_428 : memref<1x!tpu.dma_semaphore, #tpu.memory_space<semaphore_mem>> -> memref<!tpu.dma_semaphore, #tpu.memory_space<semaphore_mem>>
        %dma_wait3A_430 = arith.constant 0 : i32
        %dma_wait3A_431 = arith.constant 0 : i32
        %dma_wait3A_432 = tpu.memref_slice %arg6[%and3A_174, %dma_wait3A_430, %dma_wait3A_431] : memref<2x8x2048xf32, #tpu.memory_space<vmem>> -> memref<1x8x2048xf32, #tpu.memory_space<vmem>>
        %dma_wait3A_433 = tpu.memref_squeeze %dma_wait3A_432 : memref<1x8x2048xf32, #tpu.memory_space<vmem>> -> memref<8x2048xf32, #tpu.memory_space<vmem>>
        %dma_wait3A_434 = arith.constant 0 : i32
        %dma_wait3A_435 = tpu.memref_slice %arg3[%add3A_421, %dma_wait3A_434] : memref<4096x2048xf32, #tpu.memory_space<hbm>> -> memref<8x2048xf32, #tpu.memory_space<hbm>>
        tpu.wait_dma2 semaphore(%dma_wait3A_429 : memref<!tpu.dma_semaphore, #tpu.memory_space<semaphore_mem>>) src(%dma_wait3A_435 : memref<8x2048xf32, #tpu.memory_space<hbm>>) dst(%dma_wait3A_433 : memref<8x2048xf32, #tpu.memory_space<vmem>>)
      } else {
      }
      %shift_right_arithmetic3A_177 = arith.constant 2 : i32
      %shift_right_arithmetic3A_178 = arith.shrsi %scan3A_168, %shift_right_arithmetic3A_177 : i32
      %and3A_179 = arith.constant 3 : i32
      %and3A_180 = arith.andi %scan3A_168, %and3A_179 : i32
      %mul3A_181 = arith.constant 8 : i32
      %mul3A_182 = arith.muli %shift_right_arithmetic3A_178, %mul3A_181 : i32
      %add3A_183 = arith.addi %mul3A_2, %mul3A_182 : i32
      %dma_wait3A_184 = arith.constant 0 : i32
      %dma_wait3A_185 = arith.constant 0 : i32
      %dma_wait3A_186 = tpu.memref_slice %arg5[%and3A_172, %dma_wait3A_184, %dma_wait3A_185] : memref<4x8x2048xf32, #tpu.memory_space<vmem>> -> memref<1x8x2048xf32, #tpu.memory_space<vmem>>
      %dma_wait3A_187 = tpu.memref_squeeze %dma_wait3A_186 : memref<1x8x2048xf32, #tpu.memory_space<vmem>> -> memref<8x2048xf32, #tpu.memory_space<vmem>>
      %dma_wait3A_188 = arith.constant 0 : i32
      %dma_wait3A_189 = tpu.memref_slice %arg2[%and3A_180, %add3A_183, %dma_wait3A_188] : memref<4x4096x2048xf32, #tpu.memory_space<hbm>> -> memref<1x8x2048xf32, #tpu.memory_space<hbm>>
      %dma_wait3A_190 = tpu.memref_squeeze %dma_wait3A_189 : memref<1x8x2048xf32, #tpu.memory_space<hbm>> -> memref<8x2048xf32, #tpu.memory_space<hbm>>
      %dma_wait3A_191 = tpu.memref_slice %arg7[%and3A_172] : memref<4x!tpu.dma_semaphore, #tpu.memory_space<semaphore_mem>> -> memref<1x!tpu.dma_semaphore, #tpu.memory_space<semaphore_mem>>
      %dma_wait3A_192 = tpu.memref_squeeze %dma_wait3A_191 : memref<1x!tpu.dma_semaphore, #tpu.memory_space<semaphore_mem>> -> memref<!tpu.dma_semaphore, #tpu.memory_space<semaphore_mem>>
      %dma_wait3A_193 = arith.constant 0 : i32
      %dma_wait3A_194 = arith.constant 0 : i32
      %dma_wait3A_195 = tpu.memref_slice %arg5[%and3A_172, %dma_wait3A_193, %dma_wait3A_194] : memref<4x8x2048xf32, #tpu.memory_space<vmem>> -> memref<1x8x2048xf32, #tpu.memory_space<vmem>>
      %dma_wait3A_196 = tpu.memref_squeeze %dma_wait3A_195 : memref<1x8x2048xf32, #tpu.memory_space<vmem>> -> memref<8x2048xf32, #tpu.memory_space<vmem>>
      %dma_wait3A_197 = arith.constant 0 : i32
      %dma_wait3A_198 = tpu.memref_slice %arg2[%and3A_180, %add3A_183, %dma_wait3A_197] : memref<4x4096x2048xf32, #tpu.memory_space<hbm>> -> memref<1x8x2048xf32, #tpu.memory_space<hbm>>
      %dma_wait3A_199 = tpu.memref_squeeze %dma_wait3A_198 : memref<1x8x2048xf32, #tpu.memory_space<hbm>> -> memref<8x2048xf32, #tpu.memory_space<hbm>>
      tpu.wait_dma2 semaphore(%dma_wait3A_192 : memref<!tpu.dma_semaphore, #tpu.memory_space<semaphore_mem>>) src(%dma_wait3A_199 : memref<8x2048xf32, #tpu.memory_space<hbm>>) dst(%dma_wait3A_196 : memref<8x2048xf32, #tpu.memory_space<vmem>>)
      %add3A_200 = arith.constant 3 : i32
      %add3A_201 = arith.addi %scan3A_168, %add3A_200 : i32
      %lt3A = arith.constant 64 : i32
      %lt3A_202 = arith.cmpi slt, %add3A_201, %lt3A : i32
      %convert_element_type3A_203 = arith.extui %lt3A_202 : i1 to i32
      %cond3A_204 = arith.constant 0 : i32
      %cond3A_205 = arith.cmpi ne, %convert_element_type3A_203, %cond3A_204 : i32
      scf.if %cond3A_205 {
        %add3A_412 = arith.constant 3 : i32
        %add3A_413 = arith.addi %scan3A_168, %add3A_412 : i32
        %and3A_414 = arith.constant 3 : i32
        %and3A_415 = arith.andi %add3A_413, %and3A_414 : i32
        %ge3A = arith.constant 1 : i32
        %ge3A_416 = arith.cmpi sge, %scan3A_168, %ge3A : i32
        %convert_element_type3A_417 = arith.extui %ge3A_416 : i1 to i32
        %cond3A_418 = arith.constant 0 : i32
        %cond3A_419 = arith.cmpi ne, %convert_element_type3A_417, %cond3A_418 : i32
        scf.if %cond3A_419 {
          %sub3A = arith.constant 1 : i32
          %sub3A_445 = arith.subi %scan3A_168, %sub3A : i32
          %shift_right_arithmetic3A_446 = arith.constant 2 : i32
          %shift_right_arithmetic3A_447 = arith.shrsi %sub3A_445, %shift_right_arithmetic3A_446 : i32
          %and3A_448 = arith.constant 3 : i32
          %and3A_449 = arith.andi %sub3A_445, %and3A_448 : i32
          %mul3A_450 = arith.constant 8 : i32
          %mul3A_451 = arith.muli %shift_right_arithmetic3A_447, %mul3A_450 : i32
          %add3A_452 = arith.addi %mul3A_2, %mul3A_451 : i32
          %dma_wait3A_453 = arith.constant 0 : i32
          %dma_wait3A_454 = arith.constant 0 : i32
          %dma_wait3A_455 = tpu.memref_slice %arg5[%and3A_415, %dma_wait3A_453, %dma_wait3A_454] : memref<4x8x2048xf32, #tpu.memory_space<vmem>> -> memref<1x8x2048xf32, #tpu.memory_space<vmem>>
          %dma_wait3A_456 = tpu.memref_squeeze %dma_wait3A_455 : memref<1x8x2048xf32, #tpu.memory_space<vmem>> -> memref<8x2048xf32, #tpu.memory_space<vmem>>
          %dma_wait3A_457 = arith.constant 0 : i32
          %dma_wait3A_458 = tpu.memref_slice %arg4[%and3A_449, %add3A_452, %dma_wait3A_457] : memref<4x4096x2048xf32, #tpu.memory_space<hbm>> -> memref<1x8x2048xf32, #tpu.memory_space<hbm>>
          %dma_wait3A_459 = tpu.memref_squeeze %dma_wait3A_458 : memref<1x8x2048xf32, #tpu.memory_space<hbm>> -> memref<8x2048xf32, #tpu.memory_space<hbm>>
          %dma_wait3A_460 = tpu.memref_slice %arg8[%and3A_415] : memref<4x!tpu.dma_semaphore, #tpu.memory_space<semaphore_mem>> -> memref<1x!tpu.dma_semaphore, #tpu.memory_space<semaphore_mem>>
          %dma_wait3A_461 = tpu.memref_squeeze %dma_wait3A_460 : memref<1x!tpu.dma_semaphore, #tpu.memory_space<semaphore_mem>> -> memref<!tpu.dma_semaphore, #tpu.memory_space<semaphore_mem>>
          %dma_wait3A_462 = arith.constant 0 : i32
          %dma_wait3A_463 = tpu.memref_slice %arg4[%and3A_449, %add3A_452, %dma_wait3A_462] : memref<4x4096x2048xf32, #tpu.memory_space<hbm>> -> memref<1x8x2048xf32, #tpu.memory_space<hbm>>
          %dma_wait3A_464 = tpu.memref_squeeze %dma_wait3A_463 : memref<1x8x2048xf32, #tpu.memory_space<hbm>> -> memref<8x2048xf32, #tpu.memory_space<hbm>>
          %dma_wait3A_465 = arith.constant 0 : i32
          %dma_wait3A_466 = arith.constant 0 : i32
          %dma_wait3A_467 = tpu.memref_slice %arg5[%and3A_415, %dma_wait3A_465, %dma_wait3A_466] : memref<4x8x2048xf32, #tpu.memory_space<vmem>> -> memref<1x8x2048xf32, #tpu.memory_space<vmem>>
          %dma_wait3A_468 = tpu.memref_squeeze %dma_wait3A_467 : memref<1x8x2048xf32, #tpu.memory_space<vmem>> -> memref<8x2048xf32, #tpu.memory_space<vmem>>
          tpu.wait_dma2 semaphore(%dma_wait3A_461 : memref<!tpu.dma_semaphore, #tpu.memory_space<semaphore_mem>>) src(%dma_wait3A_468 : memref<8x2048xf32, #tpu.memory_space<vmem>>) dst(%dma_wait3A_464 : memref<8x2048xf32, #tpu.memory_space<hbm>>)
        } else {
        }
        %add3A_420 = arith.constant 3 : i32
        %add3A_421 = arith.addi %scan3A_168, %add3A_420 : i32
        %shift_right_arithmetic3A_422 = arith.constant 2 : i32
        %shift_right_arithmetic3A_423 = arith.shrsi %add3A_421, %shift_right_arithmetic3A_422 : i32
        %and3A_424 = arith.constant 3 : i32
        %and3A_425 = arith.andi %add3A_421, %and3A_424 : i32
        %mul3A_426 = arith.constant 8 : i32
        %mul3A_427 = arith.muli %shift_right_arithmetic3A_423, %mul3A_426 : i32
        %add3A_428 = arith.addi %mul3A_2, %mul3A_427 : i32
        %dma_start3A_429 = arith.constant 0 : i32
        %dma_start3A_430 = arith.constant 0 : i32
        %dma_start3A_431 = tpu.memref_slice %arg5[%and3A_415, %dma_start3A_429, %dma_start3A_430] : memref<4x8x2048xf32, #tpu.memory_space<vmem>> -> memref<1x8x2048xf32, #tpu.memory_space<vmem>>
        %dma_start3A_432 = tpu.memref_squeeze %dma_start3A_431 : memref<1x8x2048xf32, #tpu.memory_space<vmem>> -> memref<8x2048xf32, #tpu.memory_space<vmem>>
        %dma_start3A_433 = arith.constant 0 : i32
        %dma_start3A_434 = tpu.memref_slice %arg2[%and3A_425, %add3A_428, %dma_start3A_433] : memref<4x4096x2048xf32, #tpu.memory_space<hbm>> -> memref<1x8x2048xf32, #tpu.memory_space<hbm>>
        %dma_start3A_435 = tpu.memref_squeeze %dma_start3A_434 : memref<1x8x2048xf32, #tpu.memory_space<hbm>> -> memref<8x2048xf32, #tpu.memory_space<hbm>>
        %dma_start3A_436 = tpu.memref_slice %arg7[%and3A_415] : memref<4x!tpu.dma_semaphore, #tpu.memory_space<semaphore_mem>> -> memref<1x!tpu.dma_semaphore, #tpu.memory_space<semaphore_mem>>
        %dma_start3A_437 = tpu.memref_squeeze %dma_start3A_436 : memref<1x!tpu.dma_semaphore, #tpu.memory_space<semaphore_mem>> -> memref<!tpu.dma_semaphore, #tpu.memory_space<semaphore_mem>>
        %dma_start3A_438 = arith.constant 0 : i32
        %dma_start3A_439 = arith.constant 0 : i32
        %dma_start3A_440 = tpu.memref_slice %arg5[%and3A_415, %dma_start3A_438, %dma_start3A_439] : memref<4x8x2048xf32, #tpu.memory_space<vmem>> -> memref<1x8x2048xf32, #tpu.memory_space<vmem>>
        %dma_start3A_441 = tpu.memref_squeeze %dma_start3A_440 : memref<1x8x2048xf32, #tpu.memory_space<vmem>> -> memref<8x2048xf32, #tpu.memory_space<vmem>>
        %dma_start3A_442 = arith.constant 0 : i32
        %dma_start3A_443 = tpu.memref_slice %arg2[%and3A_425, %add3A_428, %dma_start3A_442] : memref<4x4096x2048xf32, #tpu.memory_space<hbm>> -> memref<1x8x2048xf32, #tpu.memory_space<hbm>>
        %dma_start3A_444 = tpu.memref_squeeze %dma_start3A_443 : memref<1x8x2048xf32, #tpu.memory_space<hbm>> -> memref<8x2048xf32, #tpu.memory_space<hbm>>
        tpu.enqueue_dma source(%dma_start3A_444 : memref<8x2048xf32, #tpu.memory_space<hbm>>) target(%dma_start3A_441 : memref<8x2048xf32, #tpu.memory_space<vmem>>) target_semaphore(%dma_start3A_437 : memref<!tpu.dma_semaphore, #tpu.memory_space<semaphore_mem>>)
      } else {
      }
      %shift_right_arithmetic3A_206 = arith.constant 2 : i32
      %shift_right_arithmetic3A_207 = arith.shrsi %scan3A_168, %shift_right_arithmetic3A_206 : i32
      %and3A_208 = arith.constant 3 : i32
      %and3A_209 = arith.andi %scan3A_168, %and3A_208 : i32
      %mul3A_210 = arith.constant 8 : i32
      %mul3A_211 = arith.muli %shift_right_arithmetic3A_207, %mul3A_210 : i32
      %add3A_212 = arith.addi %mul3A_2, %mul3A_211 : i32
      %parallel_loop3A = arith.constant 0 : i32
      %parallel_loop3A_213 = arith.constant 2048 : i32
      %parallel_loop3A_214 = arith.constant 16 : i32
      scf.for %parallel_loop3A_412 = %parallel_loop3A to %parallel_loop3A_213 step %parallel_loop3A_214  : i32 {
        %parallel_loop3A_413 = tpu.assume_multiple %parallel_loop3A_412, 16 : i32
        %parallel_loop3A_414 = arith.constant 0 : i32
        %parallel_loop3A_415 = arith.index_cast %and3A_172 : i32 to index
        %parallel_loop3A_416 = arith.index_cast %parallel_loop3A_414 : i32 to index
        %parallel_loop3A_417 = arith.index_cast %parallel_loop3A_413 : i32 to index
        %parallel_loop3A_418 = tpu.vector_load %arg5[%parallel_loop3A_415, %parallel_loop3A_416, %parallel_loop3A_417] {strides = array<i32>} : memref<4x8x2048xf32, #tpu.memory_space<vmem>>, vector<1x1x16xf32>,
        %parallel_loop3A_419 = vector.shape_cast %parallel_loop3A_418 : vector<1x1x16xf32> to vector<16xf32>
        %parallel_loop3A_420 = arith.constant 0 : i32
        %parallel_loop3A_421 = arith.index_cast %and3A_174 : i32 to index
        %parallel_loop3A_422 = arith.index_cast %parallel_loop3A_420 : i32 to index
        %parallel_loop3A_423 = arith.index_cast %parallel_loop3A_413 : i32 to index
        %parallel_loop3A_424 = tpu.vector_load %arg6[%parallel_loop3A_421, %parallel_loop3A_422, %parallel_loop3A_423] {strides = array<i32>} : memref<2x8x2048xf32, #tpu.memory_space<vmem>>, vector<1x1x16xf32>,
        %parallel_loop3A_425 = vector.shape_cast %parallel_loop3A_424 : vector<1x1x16xf32> to vector<16xf32>
        %parallel_loop3A_426 = arith.addf %parallel_loop3A_419, %parallel_loop3A_425 : vector<16xf32>
        %parallel_loop3A_427 = arith.constant 0 : i32
        %parallel_loop3A_428 = arith.index_cast %and3A_172 : i32 to index
        %parallel_loop3A_429 = arith.index_cast %parallel_loop3A_427 : i32 to index
        %parallel_loop3A_430 = arith.index_cast %parallel_loop3A_413 : i32 to index
        %parallel_loop3A_431 = tpu.vector_load %arg5[%parallel_loop3A_428, %parallel_loop3A_429, %parallel_loop3A_430] {strides = array<i32>} : memref<4x8x2048xf32, #tpu.memory_space<vmem>>, vector<1x1x16xf32>,
        %parallel_loop3A_432 = vector.shape_cast %parallel_loop3A_431 : vector<1x1x16xf32> to vector<16xf32>
        %parallel_loop3A_433 = vector.shape_cast %parallel_loop3A_426 : vector<16xf32> to vector<1x1x16xf32>
        tpu.vector_store %arg5[%parallel_loop3A_428, %parallel_loop3A_429, %parallel_loop3A_430], %parallel_loop3A_433 {strides = array<i32>} : memref<4x8x2048xf32, #tpu.memory_space<vmem>>, vector<1x1x16xf32>,
      } {sc.loop_unroll_factor = 8 : i64, sc.parallel_access}
      %dma_start3A_215 = arith.constant 0 : i32
      %dma_start3A_216 = arith.constant 0 : i32
      %dma_start3A_217 = arith.constant 0 : i32
      %dma_start3A_218 = tpu.memref_slice %arg5[%and3A_172, %dma_start3A_215, %dma_start3A_217] : memref<4x8x2048xf32, #tpu.memory_space<vmem>> -> memref<1x1x2048xf32, #tpu.memory_space<vmem>>
      %dma_start3A_219 = tpu.memref_squeeze %dma_start3A_218 : memref<1x1x2048xf32, #tpu.memory_space<vmem>> -> memref<2048xf32, #tpu.memory_space<vmem>>
      %dma_start3A_220 = arith.constant 0 : i32
      %dma_start3A_221 = tpu.memref_slice %arg4[%and3A_209, %add3A_212, %dma_start3A_220] : memref<4x4096x2048xf32, #tpu.memory_space<hbm>> -> memref<1x8x2048xf32, #tpu.memory_space<hbm>>
      %dma_start3A_222 = tpu.memref_squeeze %dma_start3A_221 : memref<1x8x2048xf32, #tpu.memory_space<hbm>> -> memref<8x2048xf32, #tpu.memory_space<hbm>>
      %dma_start3A_223 = arith.constant 0 : i32
      %dma_start3A_224 = tpu.memref_slice %dma_start3A_222[%dma_start3A_216, %dma_start3A_223] : memref<8x2048xf32, #tpu.memory_space<hbm>> -> memref<1x2048xf32, #tpu.memory_space<hbm>>
      %dma_start3A_225 = tpu.memref_squeeze %dma_start3A_224 : memref<1x2048xf32, #tpu.memory_space<hbm>> -> memref<2048xf32, #tpu.memory_space<hbm>>
      %dma_start3A_226 = tpu.memref_slice %arg8[%and3A_172] : memref<4x!tpu.dma_semaphore, #tpu.memory_space<semaphore_mem>> -> memref<1x!tpu.dma_semaphore, #tpu.memory_space<semaphore_mem>>
      %dma_start3A_227 = tpu.memref_squeeze %dma_start3A_226 : memref<1x!tpu.dma_semaphore, #tpu.memory_space<semaphore_mem>> -> memref<!tpu.dma_semaphore, #tpu.memory_space<semaphore_mem>>
      %dma_start3A_228 = arith.constant 0 : i32
      %dma_start3A_229 = tpu.memref_slice %arg4[%and3A_209, %add3A_212, %dma_start3A_228] : memref<4x4096x2048xf32, #tpu.memory_space<hbm>> -> memref<1x8x2048xf32, #tpu.memory_space<hbm>>
      %dma_start3A_230 = tpu.memref_squeeze %dma_start3A_229 : memref<1x8x2048xf32, #tpu.memory_space<hbm>> -> memref<8x2048xf32, #tpu.memory_space<hbm>>
      %dma_start3A_231 = arith.constant 0 : i32
      %dma_start3A_232 = tpu.memref_slice %dma_start3A_230[%dma_start3A_216, %dma_start3A_231] : memref<8x2048xf32, #tpu.memory_space<hbm>> -> memref<1x2048xf32, #tpu.memory_space<hbm>>
      %dma_start3A_233 = tpu.memref_squeeze %dma_start3A_232 : memref<1x2048xf32, #tpu.memory_space<hbm>> -> memref<2048xf32, #tpu.memory_space<hbm>>
      %dma_start3A_234 = arith.constant 0 : i32
      %dma_start3A_235 = tpu.memref_slice %arg5[%and3A_172, %dma_start3A_215, %dma_start3A_234] : memref<4x8x2048xf32, #tpu.memory_space<vmem>> -> memref<1x1x2048xf32, #tpu.memory_space<vmem>>
      %dma_start3A_236 = tpu.memref_squeeze %dma_start3A_235 : memref<1x1x2048xf32, #tpu.memory_space<vmem>> -> memref<2048xf32, #tpu.memory_space<vmem>>
      tpu.enqueue_dma source(%dma_start3A_236 : memref<2048xf32, #tpu.memory_space<vmem>>) target(%dma_start3A_233 : memref<2048xf32, #tpu.memory_space<hbm>>) target_semaphore(%dma_start3A_227 : memref<!tpu.dma_semaphore, #tpu.memory_space<semaphore_mem>>)
      %parallel_loop3A_237 = arith.constant 0 : i32
      %parallel_loop3A_238 = arith.constant 2048 : i32
      %parallel_loop3A_239 = arith.constant 16 : i32
      scf.for %parallel_loop3A_412 = %parallel_loop3A_237 to %parallel_loop3A_238 step %parallel_loop3A_239  : i32 {
        %parallel_loop3A_413 = tpu.assume_multiple %parallel_loop3A_412, 16 : i32
        %parallel_loop3A_414 = arith.constant 1 : i32
        %parallel_loop3A_415 = arith.index_cast %and3A_172 : i32 to index
        %parallel_loop3A_416 = arith.index_cast %parallel_loop3A_414 : i32 to index
        %parallel_loop3A_417 = arith.index_cast %parallel_loop3A_413 : i32 to index
        %parallel_loop3A_418 = tpu.vector_load %arg5[%parallel_loop3A_415, %parallel_loop3A_416, %parallel_loop3A_417] {strides = array<i32>} : memref<4x8x2048xf32, #tpu.memory_space<vmem>>, vector<1x1x16xf32>,
        %parallel_loop3A_419 = vector.shape_cast %parallel_loop3A_418 : vector<1x1x16xf32> to vector<16xf32>
        %parallel_loop3A_420 = arith.constant 1 : i32
        %parallel_loop3A_421 = arith.index_cast %and3A_174 : i32 to index
        %parallel_loop3A_422 = arith.index_cast %parallel_loop3A_420 : i32 to index
        %parallel_loop3A_423 = arith.index_cast %parallel_loop3A_413 : i32 to index
        %parallel_loop3A_424 = tpu.vector_load %arg6[%parallel_loop3A_421, %parallel_loop3A_422, %parallel_loop3A_423] {strides = array<i32>} : memref<2x8x2048xf32, #tpu.memory_space<vmem>>, vector<1x1x16xf32>,
        %parallel_loop3A_425 = vector.shape_cast %parallel_loop3A_424 : vector<1x1x16xf32> to vector<16xf32>
        %parallel_loop3A_426 = arith.addf %parallel_loop3A_419, %parallel_loop3A_425 : vector<16xf32>
        %parallel_loop3A_427 = arith.constant 1 : i32
        %parallel_loop3A_428 = arith.index_cast %and3A_172 : i32 to index
        %parallel_loop3A_429 = arith.index_cast %parallel_loop3A_427 : i32 to index
        %parallel_loop3A_430 = arith.index_cast %parallel_loop3A_413 : i32 to index
        %parallel_loop3A_431 = tpu.vector_load %arg5[%parallel_loop3A_428, %parallel_loop3A_429, %parallel_loop3A_430] {strides = array<i32>} : memref<4x8x2048xf32, #tpu.memory_space<vmem>>, vector<1x1x16xf32>,
        %parallel_loop3A_432 = vector.shape_cast %parallel_loop3A_431 : vector<1x1x16xf32> to vector<16xf32>
        %parallel_loop3A_433 = vector.shape_cast %parallel_loop3A_426 : vector<16xf32> to vector<1x1x16xf32>
        tpu.vector_store %arg5[%parallel_loop3A_428, %parallel_loop3A_429, %parallel_loop3A_430], %parallel_loop3A_433 {strides = array<i32>} : memref<4x8x2048xf32, #tpu.memory_space<vmem>>, vector<1x1x16xf32>,
      } {sc.loop_unroll_factor = 8 : i64, sc.parallel_access}
      %dma_start3A_240 = arith.constant 1 : i32
      %dma_start3A_241 = arith.constant 1 : i32
      %dma_start3A_242 = arith.constant 0 : i32
      %dma_start3A_243 = tpu.memref_slice %arg5[%and3A_172, %dma_start3A_240, %dma_start3A_242] : memref<4x8x2048xf32, #tpu.memory_space<vmem>> -> memref<1x1x2048xf32, #tpu.memory_space<vmem>>
      %dma_start3A_244 = tpu.memref_squeeze %dma_start3A_243 : memref<1x1x2048xf32, #tpu.memory_space<vmem>> -> memref<2048xf32, #tpu.memory_space<vmem>>
      %dma_start3A_245 = arith.constant 0 : i32
      %dma_start3A_246 = tpu.memref_slice %arg4[%and3A_209, %add3A_212, %dma_start3A_245] : memref<4x4096x2048xf32, #tpu.memory_space<hbm>> -> memref<1x8x2048xf32, #tpu.memory_space<hbm>>
      %dma_start3A_247 = tpu.memref_squeeze %dma_start3A_246 : memref<1x8x2048xf32, #tpu.memory_space<hbm>> -> memref<8x2048xf32, #tpu.memory_space<hbm>>
      %dma_start3A_248 = arith.constant 0 : i32
      %dma_start3A_249 = tpu.memref_slice %dma_start3A_247[%dma_start3A_241, %dma_start3A_248] : memref<8x2048xf32, #tpu.memory_space<hbm>> -> memref<1x2048xf32, #tpu.memory_space<hbm>>
      %dma_start3A_250 = tpu.memref_squeeze %dma_start3A_249 : memref<1x2048xf32, #tpu.memory_space<hbm>> -> memref<2048xf32, #tpu.memory_space<hbm>>
      %dma_start3A_251 = tpu.memref_slice %arg8[%and3A_172] : memref<4x!tpu.dma_semaphore, #tpu.memory_space<semaphore_mem>> -> memref<1x!tpu.dma_semaphore, #tpu.memory_space<semaphore_mem>>
      %dma_start3A_252 = tpu.memref_squeeze %dma_start3A_251 : memref<1x!tpu.dma_semaphore, #tpu.memory_space<semaphore_mem>> -> memref<!tpu.dma_semaphore, #tpu.memory_space<semaphore_mem>>
      %dma_start3A_253 = arith.constant 0 : i32
      %dma_start3A_254 = tpu.memref_slice %arg4[%and3A_209, %add3A_212, %dma_start3A_253] : memref<4x4096x2048xf32, #tpu.memory_space<hbm>> -> memref<1x8x2048xf32, #tpu.memory_space<hbm>>
      %dma_start3A_255 = tpu.memref_squeeze %dma_start3A_254 : memref<1x8x2048xf32, #tpu.memory_space<hbm>> -> memref<8x2048xf32, #tpu.memory_space<hbm>>
      %dma_start3A_256 = arith.constant 0 : i32
      %dma_start3A_257 = tpu.memref_slice %dma_start3A_255[%dma_start3A_241, %dma_start3A_256] : memref<8x2048xf32, #tpu.memory_space<hbm>> -> memref<1x2048xf32, #tpu.memory_space<hbm>>
      %dma_start3A_258 = tpu.memref_squeeze %dma_start3A_257 : memref<1x2048xf32, #tpu.memory_space<hbm>> -> memref<2048xf32, #tpu.memory_space<hbm>>
      %dma_start3A_259 = arith.constant 0 : i32
      %dma_start3A_260 = tpu.memref_slice %arg5[%and3A_172, %dma_start3A_240, %dma_start3A_259] : memref<4x8x2048xf32, #tpu.memory_space<vmem>> -> memref<1x1x2048xf32, #tpu.memory_space<vmem>>
      %dma_start3A_261 = tpu.memref_squeeze %dma_start3A_260 : memref<1x1x2048xf32, #tpu.memory_space<vmem>> -> memref<2048xf32, #tpu.memory_space<vmem>>
      tpu.enqueue_dma source(%dma_start3A_261 : memref<2048xf32, #tpu.memory_space<vmem>>) target(%dma_start3A_258 : memref<2048xf32, #tpu.memory_space<hbm>>) target_semaphore(%dma_start3A_252 : memref<!tpu.dma_semaphore, #tpu.memory_space<semaphore_mem>>)
      %parallel_loop3A_262 = arith.constant 0 : i32
      %parallel_loop3A_263 = arith.constant 2048 : i32
      %parallel_loop3A_264 = arith.constant 16 : i32
      scf.for %parallel_loop3A_412 = %parallel_loop3A_262 to %parallel_loop3A_263 step %parallel_loop3A_264  : i32 {
        %parallel_loop3A_413 = tpu.assume_multiple %parallel_loop3A_412, 16 : i32
        %parallel_loop3A_414 = arith.constant 2 : i32
        %parallel_loop3A_415 = arith.index_cast %and3A_172 : i32 to index
        %parallel_loop3A_416 = arith.index_cast %parallel_loop3A_414 : i32 to index
        %parallel_loop3A_417 = arith.index_cast %parallel_loop3A_413 : i32 to index
        %parallel_loop3A_418 = tpu.vector_load %arg5[%parallel_loop3A_415, %parallel_loop3A_416, %parallel_loop3A_417] {strides = array<i32>} : memref<4x8x2048xf32, #tpu.memory_space<vmem>>, vector<1x1x16xf32>,
        %parallel_loop3A_419 = vector.shape_cast %parallel_loop3A_418 : vector<1x1x16xf32> to vector<16xf32>
        %parallel_loop3A_420 = arith.constant 2 : i32
        %parallel_loop3A_421 = arith.index_cast %and3A_174 : i32 to index
        %parallel_loop3A_422 = arith.index_cast %parallel_loop3A_420 : i32 to index
        %parallel_loop3A_423 = arith.index_cast %parallel_loop3A_413 : i32 to index
        %parallel_loop3A_424 = tpu.vector_load %arg6[%parallel_loop3A_421, %parallel_loop3A_422, %parallel_loop3A_423] {strides = array<i32>} : memref<2x8x2048xf32, #tpu.memory_space<vmem>>, vector<1x1x16xf32>,
        %parallel_loop3A_425 = vector.shape_cast %parallel_loop3A_424 : vector<1x1x16xf32> to vector<16xf32>
        %parallel_loop3A_426 = arith.addf %parallel_loop3A_419, %parallel_loop3A_425 : vector<16xf32>
        %parallel_loop3A_427 = arith.constant 2 : i32
        %parallel_loop3A_428 = arith.index_cast %and3A_172 : i32 to index
        %parallel_loop3A_429 = arith.index_cast %parallel_loop3A_427 : i32 to index
        %parallel_loop3A_430 = arith.index_cast %parallel_loop3A_413 : i32 to index
        %parallel_loop3A_431 = tpu.vector_load %arg5[%parallel_loop3A_428, %parallel_loop3A_429, %parallel_loop3A_430] {strides = array<i32>} : memref<4x8x2048xf32, #tpu.memory_space<vmem>>, vector<1x1x16xf32>,
        %parallel_loop3A_432 = vector.shape_cast %parallel_loop3A_431 : vector<1x1x16xf32> to vector<16xf32>
        %parallel_loop3A_433 = vector.shape_cast %parallel_loop3A_426 : vector<16xf32> to vector<1x1x16xf32>
        tpu.vector_store %arg5[%parallel_loop3A_428, %parallel_loop3A_429, %parallel_loop3A_430], %parallel_loop3A_433 {strides = array<i32>} : memref<4x8x2048xf32, #tpu.memory_space<vmem>>, vector<1x1x16xf32>,
      } {sc.loop_unroll_factor = 8 : i64, sc.parallel_access}
      %dma_start3A_265 = arith.constant 2 : i32
      %dma_start3A_266 = arith.constant 2 : i32
      %dma_start3A_267 = arith.constant 0 : i32
      %dma_start3A_268 = tpu.memref_slice %arg5[%and3A_172, %dma_start3A_265, %dma_start3A_267] : memref<4x8x2048xf32, #tpu.memory_space<vmem>> -> memref<1x1x2048xf32, #tpu.memory_space<vmem>>
      %dma_start3A_269 = tpu.memref_squeeze %dma_start3A_268 : memref<1x1x2048xf32, #tpu.memory_space<vmem>> -> memref<2048xf32, #tpu.memory_space<vmem>>
      %dma_start3A_270 = arith.constant 0 : i32
      %dma_start3A_271 = tpu.memref_slice %arg4[%and3A_209, %add3A_212, %dma_start3A_270] : memref<4x4096x2048xf32, #tpu.memory_space<hbm>> -> memref<1x8x2048xf32, #tpu.memory_space<hbm>>
      %dma_start3A_272 = tpu.memref_squeeze %dma_start3A_271 : memref<1x8x2048xf32, #tpu.memory_space<hbm>> -> memref<8x2048xf32, #tpu.memory_space<hbm>>
      %dma_start3A_273 = arith.constant 0 : i32
      %dma_start3A_274 = tpu.memref_slice %dma_start3A_272[%dma_start3A_266, %dma_start3A_273] : memref<8x2048xf32, #tpu.memory_space<hbm>> -> memref<1x2048xf32, #tpu.memory_space<hbm>>
      %dma_start3A_275 = tpu.memref_squeeze %dma_start3A_274 : memref<1x2048xf32, #tpu.memory_space<hbm>> -> memref<2048xf32, #tpu.memory_space<hbm>>
      %dma_start3A_276 = tpu.memref_slice %arg8[%and3A_172] : memref<4x!tpu.dma_semaphore, #tpu.memory_space<semaphore_mem>> -> memref<1x!tpu.dma_semaphore, #tpu.memory_space<semaphore_mem>>
      %dma_start3A_277 = tpu.memref_squeeze %dma_start3A_276 : memref<1x!tpu.dma_semaphore, #tpu.memory_space<semaphore_mem>> -> memref<!tpu.dma_semaphore, #tpu.memory_space<semaphore_mem>>
      %dma_start3A_278 = arith.constant 0 : i32
      %dma_start3A_279 = tpu.memref_slice %arg4[%and3A_209, %add3A_212, %dma_start3A_278] : memref<4x4096x2048xf32, #tpu.memory_space<hbm>> -> memref<1x8x2048xf32, #tpu.memory_space<hbm>>
      %dma_start3A_280 = tpu.memref_squeeze %dma_start3A_279 : memref<1x8x2048xf32, #tpu.memory_space<hbm>> -> memref<8x2048xf32, #tpu.memory_space<hbm>>
      %dma_start3A_281 = arith.constant 0 : i32
      %dma_start3A_282 = tpu.memref_slice %dma_start3A_280[%dma_start3A_266, %dma_start3A_281] : memref<8x2048xf32, #tpu.memory_space<hbm>> -> memref<1x2048xf32, #tpu.memory_space<hbm>>
      %dma_start3A_283 = tpu.memref_squeeze %dma_start3A_282 : memref<1x2048xf32, #tpu.memory_space<hbm>> -> memref<2048xf32, #tpu.memory_space<hbm>>
      %dma_start3A_284 = arith.constant 0 : i32
      %dma_start3A_285 = tpu.memref_slice %arg5[%and3A_172, %dma_start3A_265, %dma_start3A_284] : memref<4x8x2048xf32, #tpu.memory_space<vmem>> -> memref<1x1x2048xf32, #tpu.memory_space<vmem>>
      %dma_start3A_286 = tpu.memref_squeeze %dma_start3A_285 : memref<1x1x2048xf32, #tpu.memory_space<vmem>> -> memref<2048xf32, #tpu.memory_space<vmem>>
      tpu.enqueue_dma source(%dma_start3A_286 : memref<2048xf32, #tpu.memory_space<vmem>>) target(%dma_start3A_283 : memref<2048xf32, #tpu.memory_space<hbm>>) target_semaphore(%dma_start3A_277 : memref<!tpu.dma_semaphore, #tpu.memory_space<semaphore_mem>>)
      %parallel_loop3A_287 = arith.constant 0 : i32
      %parallel_loop3A_288 = arith.constant 2048 : i32
      %parallel_loop3A_289 = arith.constant 16 : i32
      scf.for %parallel_loop3A_412 = %parallel_loop3A_287 to %parallel_loop3A_288 step %parallel_loop3A_289  : i32 {
        %parallel_loop3A_413 = tpu.assume_multiple %parallel_loop3A_412, 16 : i32
        %parallel_loop3A_414 = arith.constant 3 : i32
        %parallel_loop3A_415 = arith.index_cast %and3A_172 : i32 to index
        %parallel_loop3A_416 = arith.index_cast %parallel_loop3A_414 : i32 to index
        %parallel_loop3A_417 = arith.index_cast %parallel_loop3A_413 : i32 to index
        %parallel_loop3A_418 = tpu.vector_load %arg5[%parallel_loop3A_415, %parallel_loop3A_416, %parallel_loop3A_417] {strides = array<i32>} : memref<4x8x2048xf32, #tpu.memory_space<vmem>>, vector<1x1x16xf32>,
        %parallel_loop3A_419 = vector.shape_cast %parallel_loop3A_418 : vector<1x1x16xf32> to vector<16xf32>
        %parallel_loop3A_420 = arith.constant 3 : i32
        %parallel_loop3A_421 = arith.index_cast %and3A_174 : i32 to index
        %parallel_loop3A_422 = arith.index_cast %parallel_loop3A_420 : i32 to index
        %parallel_loop3A_423 = arith.index_cast %parallel_loop3A_413 : i32 to index
        %parallel_loop3A_424 = tpu.vector_load %arg6[%parallel_loop3A_421, %parallel_loop3A_422, %parallel_loop3A_423] {strides = array<i32>} : memref<2x8x2048xf32, #tpu.memory_space<vmem>>, vector<1x1x16xf32>,
        %parallel_loop3A_425 = vector.shape_cast %parallel_loop3A_424 : vector<1x1x16xf32> to vector<16xf32>
        %parallel_loop3A_426 = arith.addf %parallel_loop3A_419, %parallel_loop3A_425 : vector<16xf32>
        %parallel_loop3A_427 = arith.constant 3 : i32
        %parallel_loop3A_428 = arith.index_cast %and3A_172 : i32 to index
        %parallel_loop3A_429 = arith.index_cast %parallel_loop3A_427 : i32 to index
        %parallel_loop3A_430 = arith.index_cast %parallel_loop3A_413 : i32 to index
        %parallel_loop3A_431 = tpu.vector_load %arg5[%parallel_loop3A_428, %parallel_loop3A_429, %parallel_loop3A_430] {strides = array<i32>} : memref<4x8x2048xf32, #tpu.memory_space<vmem>>, vector<1x1x16xf32>,
        %parallel_loop3A_432 = vector.shape_cast %parallel_loop3A_431 : vector<1x1x16xf32> to vector<16xf32>
        %parallel_loop3A_433 = vector.shape_cast %parallel_loop3A_426 : vector<16xf32> to vector<1x1x16xf32>
        tpu.vector_store %arg5[%parallel_loop3A_428, %parallel_loop3A_429, %parallel_loop3A_430], %parallel_loop3A_433 {strides = array<i32>} : memref<4x8x2048xf32, #tpu.memory_space<vmem>>, vector<1x1x16xf32>,
      } {sc.loop_unroll_factor = 8 : i64, sc.parallel_access}
      %dma_start3A_290 = arith.constant 3 : i32
      %dma_start3A_291 = arith.constant 3 : i32
      %dma_start3A_292 = arith.constant 0 : i32
      %dma_start3A_293 = tpu.memref_slice %arg5[%and3A_172, %dma_start3A_290, %dma_start3A_292] : memref<4x8x2048xf32, #tpu.memory_space<vmem>> -> memref<1x1x2048xf32, #tpu.memory_space<vmem>>
      %dma_start3A_294 = tpu.memref_squeeze %dma_start3A_293 : memref<1x1x2048xf32, #tpu.memory_space<vmem>> -> memref<2048xf32, #tpu.memory_space<vmem>>
      %dma_start3A_295 = arith.constant 0 : i32
      %dma_start3A_296 = tpu.memref_slice %arg4[%and3A_209, %add3A_212, %dma_start3A_295] : memref<4x4096x2048xf32, #tpu.memory_space<hbm>> -> memref<1x8x2048xf32, #tpu.memory_space<hbm>>
      %dma_start3A_297 = tpu.memref_squeeze %dma_start3A_296 : memref<1x8x2048xf32, #tpu.memory_space<hbm>> -> memref<8x2048xf32, #tpu.memory_space<hbm>>
      %dma_start3A_298 = arith.constant 0 : i32
      %dma_start3A_299 = tpu.memref_slice %dma_start3A_297[%dma_start3A_291, %dma_start3A_298] : memref<8x2048xf32, #tpu.memory_space<hbm>> -> memref<1x2048xf32, #tpu.memory_space<hbm>>
      %dma_start3A_300 = tpu.memref_squeeze %dma_start3A_299 : memref<1x2048xf32, #tpu.memory_space<hbm>> -> memref<2048xf32, #tpu.memory_space<hbm>>
      %dma_start3A_301 = tpu.memref_slice %arg8[%and3A_172] : memref<4x!tpu.dma_semaphore, #tpu.memory_space<semaphore_mem>> -> memref<1x!tpu.dma_semaphore, #tpu.memory_space<semaphore_mem>>
      %dma_start3A_302 = tpu.memref_squeeze %dma_start3A_301 : memref<1x!tpu.dma_semaphore, #tpu.memory_space<semaphore_mem>> -> memref<!tpu.dma_semaphore, #tpu.memory_space<semaphore_mem>>
      %dma_start3A_303 = arith.constant 0 : i32
      %dma_start3A_304 = tpu.memref_slice %arg4[%and3A_209, %add3A_212, %dma_start3A_303] : memref<4x4096x2048xf32, #tpu.memory_space<hbm>> -> memref<1x8x2048xf32, #tpu.memory_space<hbm>>
      %dma_start3A_305 = tpu.memref_squeeze %dma_start3A_304 : memref<1x8x2048xf32, #tpu.memory_space<hbm>> -> memref<8x2048xf32, #tpu.memory_space<hbm>>
      %dma_start3A_306 = arith.constant 0 : i32
      %dma_start3A_307 = tpu.memref_slice %dma_start3A_305[%dma_start3A_291, %dma_start3A_306] : memref<8x2048xf32, #tpu.memory_space<hbm>> -> memref<1x2048xf32, #tpu.memory_space<hbm>>
      %dma_start3A_308 = tpu.memref_squeeze %dma_start3A_307 : memref<1x2048xf32, #tpu.memory_space<hbm>> -> memref<2048xf32, #tpu.memory_space<hbm>>
      %dma_start3A_309 = arith.constant 0 : i32
      %dma_start3A_310 = tpu.memref_slice %arg5[%and3A_172, %dma_start3A_290, %dma_start3A_309] : memref<4x8x2048xf32, #tpu.memory_space<vmem>> -> memref<1x1x2048xf32, #tpu.memory_space<vmem>>
      %dma_start3A_311 = tpu.memref_squeeze %dma_start3A_310 : memref<1x1x2048xf32, #tpu.memory_space<vmem>> -> memref<2048xf32, #tpu.memory_space<vmem>>
      tpu.enqueue_dma source(%dma_start3A_311 : memref<2048xf32, #tpu.memory_space<vmem>>) target(%dma_start3A_308 : memref<2048xf32, #tpu.memory_space<hbm>>) target_semaphore(%dma_start3A_302 : memref<!tpu.dma_semaphore, #tpu.memory_space<semaphore_mem>>)
      %parallel_loop3A_312 = arith.constant 0 : i32
      %parallel_loop3A_313 = arith.constant 2048 : i32
      %parallel_loop3A_314 = arith.constant 16 : i32
      scf.for %parallel_loop3A_412 = %parallel_loop3A_312 to %parallel_loop3A_313 step %parallel_loop3A_314  : i32 {
        %parallel_loop3A_413 = tpu.assume_multiple %parallel_loop3A_412, 16 : i32
        %parallel_loop3A_414 = arith.constant 4 : i32
        %parallel_loop3A_415 = arith.index_cast %and3A_172 : i32 to index
        %parallel_loop3A_416 = arith.index_cast %parallel_loop3A_414 : i32 to index
        %parallel_loop3A_417 = arith.index_cast %parallel_loop3A_413 : i32 to index
        %parallel_loop3A_418 = tpu.vector_load %arg5[%parallel_loop3A_415, %parallel_loop3A_416, %parallel_loop3A_417] {strides = array<i32>} : memref<4x8x2048xf32, #tpu.memory_space<vmem>>, vector<1x1x16xf32>,
        %parallel_loop3A_419 = vector.shape_cast %parallel_loop3A_418 : vector<1x1x16xf32> to vector<16xf32>
        %parallel_loop3A_420 = arith.constant 4 : i32
        %parallel_loop3A_421 = arith.index_cast %and3A_174 : i32 to index
        %parallel_loop3A_422 = arith.index_cast %parallel_loop3A_420 : i32 to index
        %parallel_loop3A_423 = arith.index_cast %parallel_loop3A_413 : i32 to index
        %parallel_loop3A_424 = tpu.vector_load %arg6[%parallel_loop3A_421, %parallel_loop3A_422, %parallel_loop3A_423] {strides = array<i32>} : memref<2x8x2048xf32, #tpu.memory_space<vmem>>, vector<1x1x16xf32>,
        %parallel_loop3A_425 = vector.shape_cast %parallel_loop3A_424 : vector<1x1x16xf32> to vector<16xf32>
        %parallel_loop3A_426 = arith.addf %parallel_loop3A_419, %parallel_loop3A_425 : vector<16xf32>
        %parallel_loop3A_427 = arith.constant 4 : i32
        %parallel_loop3A_428 = arith.index_cast %and3A_172 : i32 to index
        %parallel_loop3A_429 = arith.index_cast %parallel_loop3A_427 : i32 to index
        %parallel_loop3A_430 = arith.index_cast %parallel_loop3A_413 : i32 to index
        %parallel_loop3A_431 = tpu.vector_load %arg5[%parallel_loop3A_428, %parallel_loop3A_429, %parallel_loop3A_430] {strides = array<i32>} : memref<4x8x2048xf32, #tpu.memory_space<vmem>>, vector<1x1x16xf32>,
        %parallel_loop3A_432 = vector.shape_cast %parallel_loop3A_431 : vector<1x1x16xf32> to vector<16xf32>
        %parallel_loop3A_433 = vector.shape_cast %parallel_loop3A_426 : vector<16xf32> to vector<1x1x16xf32>
        tpu.vector_store %arg5[%parallel_loop3A_428, %parallel_loop3A_429, %parallel_loop3A_430], %parallel_loop3A_433 {strides = array<i32>} : memref<4x8x2048xf32, #tpu.memory_space<vmem>>, vector<1x1x16xf32>,
      } {sc.loop_unroll_factor = 8 : i64, sc.parallel_access}
      %dma_start3A_315 = arith.constant 4 : i32
      %dma_start3A_316 = arith.constant 4 : i32
      %dma_start3A_317 = arith.constant 0 : i32
      %dma_start3A_318 = tpu.memref_slice %arg5[%and3A_172, %dma_start3A_315, %dma_start3A_317] : memref<4x8x2048xf32, #tpu.memory_space<vmem>> -> memref<1x1x2048xf32, #tpu.memory_space<vmem>>
      %dma_start3A_319 = tpu.memref_squeeze %dma_start3A_318 : memref<1x1x2048xf32, #tpu.memory_space<vmem>> -> memref<2048xf32, #tpu.memory_space<vmem>>
      %dma_start3A_320 = arith.constant 0 : i32
      %dma_start3A_321 = tpu.memref_slice %arg4[%and3A_209, %add3A_212, %dma_start3A_320] : memref<4x4096x2048xf32, #tpu.memory_space<hbm>> -> memref<1x8x2048xf32, #tpu.memory_space<hbm>>
      %dma_start3A_322 = tpu.memref_squeeze %dma_start3A_321 : memref<1x8x2048xf32, #tpu.memory_space<hbm>> -> memref<8x2048xf32, #tpu.memory_space<hbm>>
      %dma_start3A_323 = arith.constant 0 : i32
      %dma_start3A_324 = tpu.memref_slice %dma_start3A_322[%dma_start3A_316, %dma_start3A_323] : memref<8x2048xf32, #tpu.memory_space<hbm>> -> memref<1x2048xf32, #tpu.memory_space<hbm>>
      %dma_start3A_325 = tpu.memref_squeeze %dma_start3A_324 : memref<1x2048xf32, #tpu.memory_space<hbm>> -> memref<2048xf32, #tpu.memory_space<hbm>>
      %dma_start3A_326 = tpu.memref_slice %arg8[%and3A_172] : memref<4x!tpu.dma_semaphore, #tpu.memory_space<semaphore_mem>> -> memref<1x!tpu.dma_semaphore, #tpu.memory_space<semaphore_mem>>
      %dma_start3A_327 = tpu.memref_squeeze %dma_start3A_326 : memref<1x!tpu.dma_semaphore, #tpu.memory_space<semaphore_mem>> -> memref<!tpu.dma_semaphore, #tpu.memory_space<semaphore_mem>>
      %dma_start3A_328 = arith.constant 0 : i32
      %dma_start3A_329 = tpu.memref_slice %arg4[%and3A_209, %add3A_212, %dma_start3A_328] : memref<4x4096x2048xf32, #tpu.memory_space<hbm>> -> memref<1x8x2048xf32, #tpu.memory_space<hbm>>
      %dma_start3A_330 = tpu.memref_squeeze %dma_start3A_329 : memref<1x8x2048xf32, #tpu.memory_space<hbm>> -> memref<8x2048xf32, #tpu.memory_space<hbm>>
      %dma_start3A_331 = arith.constant 0 : i32
      %dma_start3A_332 = tpu.memref_slice %dma_start3A_330[%dma_start3A_316, %dma_start3A_331] : memref<8x2048xf32, #tpu.memory_space<hbm>> -> memref<1x2048xf32, #tpu.memory_space<hbm>>
      %dma_start3A_333 = tpu.memref_squeeze %dma_start3A_332 : memref<1x2048xf32, #tpu.memory_space<hbm>> -> memref<2048xf32, #tpu.memory_space<hbm>>
      %dma_start3A_334 = arith.constant 0 : i32
      %dma_start3A_335 = tpu.memref_slice %arg5[%and3A_172, %dma_start3A_315, %dma_start3A_334] : memref<4x8x2048xf32, #tpu.memory_space<vmem>> -> memref<1x1x2048xf32, #tpu.memory_space<vmem>>
      %dma_start3A_336 = tpu.memref_squeeze %dma_start3A_335 : memref<1x1x2048xf32, #tpu.memory_space<vmem>> -> memref<2048xf32, #tpu.memory_space<vmem>>
      tpu.enqueue_dma source(%dma_start3A_336 : memref<2048xf32, #tpu.memory_space<vmem>>) target(%dma_start3A_333 : memref<2048xf32, #tpu.memory_space<hbm>>) target_semaphore(%dma_start3A_327 : memref<!tpu.dma_semaphore, #tpu.memory_space<semaphore_mem>>)
      %parallel_loop3A_337 = arith.constant 0 : i32
      %parallel_loop3A_338 = arith.constant 2048 : i32
      %parallel_loop3A_339 = arith.constant 16 : i32
      scf.for %parallel_loop3A_412 = %parallel_loop3A_337 to %parallel_loop3A_338 step %parallel_loop3A_339  : i32 {
        %parallel_loop3A_413 = tpu.assume_multiple %parallel_loop3A_412, 16 : i32
        %parallel_loop3A_414 = arith.constant 5 : i32
        %parallel_loop3A_415 = arith.index_cast %and3A_172 : i32 to index
        %parallel_loop3A_416 = arith.index_cast %parallel_loop3A_414 : i32 to index
        %parallel_loop3A_417 = arith.index_cast %parallel_loop3A_413 : i32 to index
        %parallel_loop3A_418 = tpu.vector_load %arg5[%parallel_loop3A_415, %parallel_loop3A_416, %parallel_loop3A_417] {strides = array<i32>} : memref<4x8x2048xf32, #tpu.memory_space<vmem>>, vector<1x1x16xf32>,
        %parallel_loop3A_419 = vector.shape_cast %parallel_loop3A_418 : vector<1x1x16xf32> to vector<16xf32>
        %parallel_loop3A_420 = arith.constant 5 : i32
        %parallel_loop3A_421 = arith.index_cast %and3A_174 : i32 to index
        %parallel_loop3A_422 = arith.index_cast %parallel_loop3A_420 : i32 to index
        %parallel_loop3A_423 = arith.index_cast %parallel_loop3A_413 : i32 to index
        %parallel_loop3A_424 = tpu.vector_load %arg6[%parallel_loop3A_421, %parallel_loop3A_422, %parallel_loop3A_423] {strides = array<i32>} : memref<2x8x2048xf32, #tpu.memory_space<vmem>>, vector<1x1x16xf32>,
        %parallel_loop3A_425 = vector.shape_cast %parallel_loop3A_424 : vector<1x1x16xf32> to vector<16xf32>
        %parallel_loop3A_426 = arith.addf %parallel_loop3A_419, %parallel_loop3A_425 : vector<16xf32>
        %parallel_loop3A_427 = arith.constant 5 : i32
        %parallel_loop3A_428 = arith.index_cast %and3A_172 : i32 to index
        %parallel_loop3A_429 = arith.index_cast %parallel_loop3A_427 : i32 to index
        %parallel_loop3A_430 = arith.index_cast %parallel_loop3A_413 : i32 to index
        %parallel_loop3A_431 = tpu.vector_load %arg5[%parallel_loop3A_428, %parallel_loop3A_429, %parallel_loop3A_430] {strides = array<i32>} : memref<4x8x2048xf32, #tpu.memory_space<vmem>>, vector<1x1x16xf32>,
        %parallel_loop3A_432 = vector.shape_cast %parallel_loop3A_431 : vector<1x1x16xf32> to vector<16xf32>
        %parallel_loop3A_433 = vector.shape_cast %parallel_loop3A_426 : vector<16xf32> to vector<1x1x16xf32>
        tpu.vector_store %arg5[%parallel_loop3A_428, %parallel_loop3A_429, %parallel_loop3A_430], %parallel_loop3A_433 {strides = array<i32>} : memref<4x8x2048xf32, #tpu.memory_space<vmem>>, vector<1x1x16xf32>,
      } {sc.loop_unroll_factor = 8 : i64, sc.parallel_access}
      %dma_start3A_340 = arith.constant 5 : i32
      %dma_start3A_341 = arith.constant 5 : i32
      %dma_start3A_342 = arith.constant 0 : i32
      %dma_start3A_343 = tpu.memref_slice %arg5[%and3A_172, %dma_start3A_340, %dma_start3A_342] : memref<4x8x2048xf32, #tpu.memory_space<vmem>> -> memref<1x1x2048xf32, #tpu.memory_space<vmem>>
      %dma_start3A_344 = tpu.memref_squeeze %dma_start3A_343 : memref<1x1x2048xf32, #tpu.memory_space<vmem>> -> memref<2048xf32, #tpu.memory_space<vmem>>
      %dma_start3A_345 = arith.constant 0 : i32
      %dma_start3A_346 = tpu.memref_slice %arg4[%and3A_209, %add3A_212, %dma_start3A_345] : memref<4x4096x2048xf32, #tpu.memory_space<hbm>> -> memref<1x8x2048xf32, #tpu.memory_space<hbm>>
      %dma_start3A_347 = tpu.memref_squeeze %dma_start3A_346 : memref<1x8x2048xf32, #tpu.memory_space<hbm>> -> memref<8x2048xf32, #tpu.memory_space<hbm>>
      %dma_start3A_348 = arith.constant 0 : i32
      %dma_start3A_349 = tpu.memref_slice %dma_start3A_347[%dma_start3A_341, %dma_start3A_348] : memref<8x2048xf32, #tpu.memory_space<hbm>> -> memref<1x2048xf32, #tpu.memory_space<hbm>>
      %dma_start3A_350 = tpu.memref_squeeze %dma_start3A_349 : memref<1x2048xf32, #tpu.memory_space<hbm>> -> memref<2048xf32, #tpu.memory_space<hbm>>
      %dma_start3A_351 = tpu.memref_slice %arg8[%and3A_172] : memref<4x!tpu.dma_semaphore, #tpu.memory_space<semaphore_mem>> -> memref<1x!tpu.dma_semaphore, #tpu.memory_space<semaphore_mem>>
      %dma_start3A_352 = tpu.memref_squeeze %dma_start3A_351 : memref<1x!tpu.dma_semaphore, #tpu.memory_space<semaphore_mem>> -> memref<!tpu.dma_semaphore, #tpu.memory_space<semaphore_mem>>
      %dma_start3A_353 = arith.constant 0 : i32
      %dma_start3A_354 = tpu.memref_slice %arg4[%and3A_209, %add3A_212, %dma_start3A_353] : memref<4x4096x2048xf32, #tpu.memory_space<hbm>> -> memref<1x8x2048xf32, #tpu.memory_space<hbm>>
      %dma_start3A_355 = tpu.memref_squeeze %dma_start3A_354 : memref<1x8x2048xf32, #tpu.memory_space<hbm>> -> memref<8x2048xf32, #tpu.memory_space<hbm>>
      %dma_start3A_356 = arith.constant 0 : i32
      %dma_start3A_357 = tpu.memref_slice %dma_start3A_355[%dma_start3A_341, %dma_start3A_356] : memref<8x2048xf32, #tpu.memory_space<hbm>> -> memref<1x2048xf32, #tpu.memory_space<hbm>>
      %dma_start3A_358 = tpu.memref_squeeze %dma_start3A_357 : memref<1x2048xf32, #tpu.memory_space<hbm>> -> memref<2048xf32, #tpu.memory_space<hbm>>
      %dma_start3A_359 = arith.constant 0 : i32
      %dma_start3A_360 = tpu.memref_slice %arg5[%and3A_172, %dma_start3A_340, %dma_start3A_359] : memref<4x8x2048xf32, #tpu.memory_space<vmem>> -> memref<1x1x2048xf32, #tpu.memory_space<vmem>>
      %dma_start3A_361 = tpu.memref_squeeze %dma_start3A_360 : memref<1x1x2048xf32, #tpu.memory_space<vmem>> -> memref<2048xf32, #tpu.memory_space<vmem>>
      tpu.enqueue_dma source(%dma_start3A_361 : memref<2048xf32, #tpu.memory_space<vmem>>) target(%dma_start3A_358 : memref<2048xf32, #tpu.memory_space<hbm>>) target_semaphore(%dma_start3A_352 : memref<!tpu.dma_semaphore, #tpu.memory_space<semaphore_mem>>)
      %parallel_loop3A_362 = arith.constant 0 : i32
      %parallel_loop3A_363 = arith.constant 2048 : i32
      %parallel_loop3A_364 = arith.constant 16 : i32
      scf.for %parallel_loop3A_412 = %parallel_loop3A_362 to %parallel_loop3A_363 step %parallel_loop3A_364  : i32 {
        %parallel_loop3A_413 = tpu.assume_multiple %parallel_loop3A_412, 16 : i32
        %parallel_loop3A_414 = arith.constant 6 : i32
        %parallel_loop3A_415 = arith.index_cast %and3A_172 : i32 to index
        %parallel_loop3A_416 = arith.index_cast %parallel_loop3A_414 : i32 to index
        %parallel_loop3A_417 = arith.index_cast %parallel_loop3A_413 : i32 to index
        %parallel_loop3A_418 = tpu.vector_load %arg5[%parallel_loop3A_415, %parallel_loop3A_416, %parallel_loop3A_417] {strides = array<i32>} : memref<4x8x2048xf32, #tpu.memory_space<vmem>>, vector<1x1x16xf32>,
        %parallel_loop3A_419 = vector.shape_cast %parallel_loop3A_418 : vector<1x1x16xf32> to vector<16xf32>
        %parallel_loop3A_420 = arith.constant 6 : i32
        %parallel_loop3A_421 = arith.index_cast %and3A_174 : i32 to index
        %parallel_loop3A_422 = arith.index_cast %parallel_loop3A_420 : i32 to index
        %parallel_loop3A_423 = arith.index_cast %parallel_loop3A_413 : i32 to index
        %parallel_loop3A_424 = tpu.vector_load %arg6[%parallel_loop3A_421, %parallel_loop3A_422, %parallel_loop3A_423] {strides = array<i32>} : memref<2x8x2048xf32, #tpu.memory_space<vmem>>, vector<1x1x16xf32>,
        %parallel_loop3A_425 = vector.shape_cast %parallel_loop3A_424 : vector<1x1x16xf32> to vector<16xf32>
        %parallel_loop3A_426 = arith.addf %parallel_loop3A_419, %parallel_loop3A_425 : vector<16xf32>
        %parallel_loop3A_427 = arith.constant 6 : i32
        %parallel_loop3A_428 = arith.index_cast %and3A_172 : i32 to index
        %parallel_loop3A_429 = arith.index_cast %parallel_loop3A_427 : i32 to index
        %parallel_loop3A_430 = arith.index_cast %parallel_loop3A_413 : i32 to index
        %parallel_loop3A_431 = tpu.vector_load %arg5[%parallel_loop3A_428, %parallel_loop3A_429, %parallel_loop3A_430] {strides = array<i32>} : memref<4x8x2048xf32, #tpu.memory_space<vmem>>, vector<1x1x16xf32>,
        %parallel_loop3A_432 = vector.shape_cast %parallel_loop3A_431 : vector<1x1x16xf32> to vector<16xf32>
        %parallel_loop3A_433 = vector.shape_cast %parallel_loop3A_426 : vector<16xf32> to vector<1x1x16xf32>
        tpu.vector_store %arg5[%parallel_loop3A_428, %parallel_loop3A_429, %parallel_loop3A_430], %parallel_loop3A_433 {strides = array<i32>} : memref<4x8x2048xf32, #tpu.memory_space<vmem>>, vector<1x1x16xf32>,
      } {sc.loop_unroll_factor = 8 : i64, sc.parallel_access}
      %dma_start3A_365 = arith.constant 6 : i32
      %dma_start3A_366 = arith.constant 6 : i32
      %dma_start3A_367 = arith.constant 0 : i32
      %dma_start3A_368 = tpu.memref_slice %arg5[%and3A_172, %dma_start3A_365, %dma_start3A_367] : memref<4x8x2048xf32, #tpu.memory_space<vmem>> -> memref<1x1x2048xf32, #tpu.memory_space<vmem>>
      %dma_start3A_369 = tpu.memref_squeeze %dma_start3A_368 : memref<1x1x2048xf32, #tpu.memory_space<vmem>> -> memref<2048xf32, #tpu.memory_space<vmem>>
      %dma_start3A_370 = arith.constant 0 : i32
      %dma_start3A_371 = tpu.memref_slice %arg4[%and3A_209, %add3A_212, %dma_start3A_370] : memref<4x4096x2048xf32, #tpu.memory_space<hbm>> -> memref<1x8x2048xf32, #tpu.memory_space<hbm>>
      %dma_start3A_372 = tpu.memref_squeeze %dma_start3A_371 : memref<1x8x2048xf32, #tpu.memory_space<hbm>> -> memref<8x2048xf32, #tpu.memory_space<hbm>>
      %dma_start3A_373 = arith.constant 0 : i32
      %dma_start3A_374 = tpu.memref_slice %dma_start3A_372[%dma_start3A_366, %dma_start3A_373] : memref<8x2048xf32, #tpu.memory_space<hbm>> -> memref<1x2048xf32, #tpu.memory_space<hbm>>
      %dma_start3A_375 = tpu.memref_squeeze %dma_start3A_374 : memref<1x2048xf32, #tpu.memory_space<hbm>> -> memref<2048xf32, #tpu.memory_space<hbm>>
      %dma_start3A_376 = tpu.memref_slice %arg8[%and3A_172] : memref<4x!tpu.dma_semaphore, #tpu.memory_space<semaphore_mem>> -> memref<1x!tpu.dma_semaphore, #tpu.memory_space<semaphore_mem>>
      %dma_start3A_377 = tpu.memref_squeeze %dma_start3A_376 : memref<1x!tpu.dma_semaphore, #tpu.memory_space<semaphore_mem>> -> memref<!tpu.dma_semaphore, #tpu.memory_space<semaphore_mem>>
      %dma_start3A_378 = arith.constant 0 : i32
      %dma_start3A_379 = tpu.memref_slice %arg4[%and3A_209, %add3A_212, %dma_start3A_378] : memref<4x4096x2048xf32, #tpu.memory_space<hbm>> -> memref<1x8x2048xf32, #tpu.memory_space<hbm>>
      %dma_start3A_380 = tpu.memref_squeeze %dma_start3A_379 : memref<1x8x2048xf32, #tpu.memory_space<hbm>> -> memref<8x2048xf32, #tpu.memory_space<hbm>>
      %dma_start3A_381 = arith.constant 0 : i32
      %dma_start3A_382 = tpu.memref_slice %dma_start3A_380[%dma_start3A_366, %dma_start3A_381] : memref<8x2048xf32, #tpu.memory_space<hbm>> -> memref<1x2048xf32, #tpu.memory_space<hbm>>
      %dma_start3A_383 = tpu.memref_squeeze %dma_start3A_382 : memref<1x2048xf32, #tpu.memory_space<hbm>> -> memref<2048xf32, #tpu.memory_space<hbm>>
      %dma_start3A_384 = arith.constant 0 : i32
      %dma_start3A_385 = tpu.memref_slice %arg5[%and3A_172, %dma_start3A_365, %dma_start3A_384] : memref<4x8x2048xf32, #tpu.memory_space<vmem>> -> memref<1x1x2048xf32, #tpu.memory_space<vmem>>
      %dma_start3A_386 = tpu.memref_squeeze %dma_start3A_385 : memref<1x1x2048xf32, #tpu.memory_space<vmem>> -> memref<2048xf32, #tpu.memory_space<vmem>>
      tpu.enqueue_dma source(%dma_start3A_386 : memref<2048xf32, #tpu.memory_space<vmem>>) target(%dma_start3A_383 : memref<2048xf32, #tpu.memory_space<hbm>>) target_semaphore(%dma_start3A_377 : memref<!tpu.dma_semaphore, #tpu.memory_space<semaphore_mem>>)
      %parallel_loop3A_387 = arith.constant 0 : i32
      %parallel_loop3A_388 = arith.constant 2048 : i32
      %parallel_loop3A_389 = arith.constant 16 : i32
      scf.for %parallel_loop3A_412 = %parallel_loop3A_387 to %parallel_loop3A_388 step %parallel_loop3A_389  : i32 {
        %parallel_loop3A_413 = tpu.assume_multiple %parallel_loop3A_412, 16 : i32
        %parallel_loop3A_414 = arith.constant 7 : i32
        %parallel_loop3A_415 = arith.index_cast %and3A_172 : i32 to index
        %parallel_loop3A_416 = arith.index_cast %parallel_loop3A_414 : i32 to index
        %parallel_loop3A_417 = arith.index_cast %parallel_loop3A_413 : i32 to index
        %parallel_loop3A_418 = tpu.vector_load %arg5[%parallel_loop3A_415, %parallel_loop3A_416, %parallel_loop3A_417] {strides = array<i32>} : memref<4x8x2048xf32, #tpu.memory_space<vmem>>, vector<1x1x16xf32>,
        %parallel_loop3A_419 = vector.shape_cast %parallel_loop3A_418 : vector<1x1x16xf32> to vector<16xf32>
        %parallel_loop3A_420 = arith.constant 7 : i32
        %parallel_loop3A_421 = arith.index_cast %and3A_174 : i32 to index
        %parallel_loop3A_422 = arith.index_cast %parallel_loop3A_420 : i32 to index
        %parallel_loop3A_423 = arith.index_cast %parallel_loop3A_413 : i32 to index
        %parallel_loop3A_424 = tpu.vector_load %arg6[%parallel_loop3A_421, %parallel_loop3A_422, %parallel_loop3A_423] {strides = array<i32>} : memref<2x8x2048xf32, #tpu.memory_space<vmem>>, vector<1x1x16xf32>,
        %parallel_loop3A_425 = vector.shape_cast %parallel_loop3A_424 : vector<1x1x16xf32> to vector<16xf32>
        %parallel_loop3A_426 = arith.addf %parallel_loop3A_419, %parallel_loop3A_425 : vector<16xf32>
        %parallel_loop3A_427 = arith.constant 7 : i32
        %parallel_loop3A_428 = arith.index_cast %and3A_172 : i32 to index
        %parallel_loop3A_429 = arith.index_cast %parallel_loop3A_427 : i32 to index
        %parallel_loop3A_430 = arith.index_cast %parallel_loop3A_413 : i32 to index
        %parallel_loop3A_431 = tpu.vector_load %arg5[%parallel_loop3A_428, %parallel_loop3A_429, %parallel_loop3A_430] {strides = array<i32>} : memref<4x8x2048xf32, #tpu.memory_space<vmem>>, vector<1x1x16xf32>,
        %parallel_loop3A_432 = vector.shape_cast %parallel_loop3A_431 : vector<1x1x16xf32> to vector<16xf32>
        %parallel_loop3A_433 = vector.shape_cast %parallel_loop3A_426 : vector<16xf32> to vector<1x1x16xf32>
        tpu.vector_store %arg5[%parallel_loop3A_428, %parallel_loop3A_429, %parallel_loop3A_430], %parallel_loop3A_433 {strides = array<i32>} : memref<4x8x2048xf32, #tpu.memory_space<vmem>>, vector<1x1x16xf32>,
      } {sc.loop_unroll_factor = 8 : i64, sc.parallel_access}
      %dma_start3A_390 = arith.constant 7 : i32
      %dma_start3A_391 = arith.constant 7 : i32
      %dma_start3A_392 = arith.constant 0 : i32
      %dma_start3A_393 = tpu.memref_slice %arg5[%and3A_172, %dma_start3A_390, %dma_start3A_392] : memref<4x8x2048xf32, #tpu.memory_space<vmem>> -> memref<1x1x2048xf32, #tpu.memory_space<vmem>>
      %dma_start3A_394 = tpu.memref_squeeze %dma_start3A_393 : memref<1x1x2048xf32, #tpu.memory_space<vmem>> -> memref<2048xf32, #tpu.memory_space<vmem>>
      %dma_start3A_395 = arith.constant 0 : i32
      %dma_start3A_396 = tpu.memref_slice %arg4[%and3A_209, %add3A_212, %dma_start3A_395] : memref<4x4096x2048xf32, #tpu.memory_space<hbm>> -> memref<1x8x2048xf32, #tpu.memory_space<hbm>>
      %dma_start3A_397 = tpu.memref_squeeze %dma_start3A_396 : memref<1x8x2048xf32, #tpu.memory_space<hbm>> -> memref<8x2048xf32, #tpu.memory_space<hbm>>
      %dma_start3A_398 = arith.constant 0 : i32
      %dma_start3A_399 = tpu.memref_slice %dma_start3A_397[%dma_start3A_391, %dma_start3A_398] : memref<8x2048xf32, #tpu.memory_space<hbm>> -> memref<1x2048xf32, #tpu.memory_space<hbm>>
      %dma_start3A_400 = tpu.memref_squeeze %dma_start3A_399 : memref<1x2048xf32, #tpu.memory_space<hbm>> -> memref<2048xf32, #tpu.memory_space<hbm>>
      %dma_start3A_401 = tpu.memref_slice %arg8[%and3A_172] : memref<4x!tpu.dma_semaphore, #tpu.memory_space<semaphore_mem>> -> memref<1x!tpu.dma_semaphore, #tpu.memory_space<semaphore_mem>>
      %dma_start3A_402 = tpu.memref_squeeze %dma_start3A_401 : memref<1x!tpu.dma_semaphore, #tpu.memory_space<semaphore_mem>> -> memref<!tpu.dma_semaphore, #tpu.memory_space<semaphore_mem>>
      %dma_start3A_403 = arith.constant 0 : i32
      %dma_start3A_404 = tpu.memref_slice %arg4[%and3A_209, %add3A_212, %dma_start3A_403] : memref<4x4096x2048xf32, #tpu.memory_space<hbm>> -> memref<1x8x2048xf32, #tpu.memory_space<hbm>>
      %dma_start3A_405 = tpu.memref_squeeze %dma_start3A_404 : memref<1x8x2048xf32, #tpu.memory_space<hbm>> -> memref<8x2048xf32, #tpu.memory_space<hbm>>
      %dma_start3A_406 = arith.constant 0 : i32
      %dma_start3A_407 = tpu.memref_slice %dma_start3A_405[%dma_start3A_391, %dma_start3A_406] : memref<8x2048xf32, #tpu.memory_space<hbm>> -> memref<1x2048xf32, #tpu.memory_space<hbm>>
      %dma_start3A_408 = tpu.memref_squeeze %dma_start3A_407 : memref<1x2048xf32, #tpu.memory_space<hbm>> -> memref<2048xf32, #tpu.memory_space<hbm>>
      %dma_start3A_409 = arith.constant 0 : i32
      %dma_start3A_410 = tpu.memref_slice %arg5[%and3A_172, %dma_start3A_390, %dma_start3A_409] : memref<4x8x2048xf32, #tpu.memory_space<vmem>> -> memref<1x1x2048xf32, #tpu.memory_space<vmem>>
      %dma_start3A_411 = tpu.memref_squeeze %dma_start3A_410 : memref<1x1x2048xf32, #tpu.memory_space<vmem>> -> memref<2048xf32, #tpu.memory_space<vmem>>
      tpu.enqueue_dma source(%dma_start3A_411 : memref<2048xf32, #tpu.memory_space<vmem>>) target(%dma_start3A_408 : memref<2048xf32, #tpu.memory_space<hbm>>) target_semaphore(%dma_start3A_402 : memref<!tpu.dma_semaphore, #tpu.memory_space<semaphore_mem>>)
    }
    %scan3A_84 = arith.constant 64 : i32
    %add3A_85 = arith.constant 120 : i32
    %add3A_86 = arith.addi %mul3A_2, %add3A_85 : i32
    %dma_wait3A = arith.constant 0 : i32
    %dma_wait3A_87 = arith.constant 0 : i32
    %dma_wait3A_88 = arith.constant 0 : i32
    %dma_wait3A_89 = arith.constant 0 : i32
    %dma_wait3A_90 = arith.constant 0 : i32
    %dma_wait3A_91 = tpu.memref_slice %arg5[%dma_wait3A, %dma_wait3A_89, %dma_wait3A_90] : memref<4x8x2048xf32, #tpu.memory_space<vmem>> -> memref<1x8x2048xf32, #tpu.memory_space<vmem>>
    %dma_wait3A_92 = tpu.memref_squeeze %dma_wait3A_91 : memref<1x8x2048xf32, #tpu.memory_space<vmem>> -> memref<8x2048xf32, #tpu.memory_space<vmem>>
    %dma_wait3A_93 = arith.constant 0 : i32
    %dma_wait3A_94 = tpu.memref_slice %arg4[%dma_wait3A_87, %add3A_86, %dma_wait3A_93] : memref<4x4096x2048xf32, #tpu.memory_space<hbm>> -> memref<1x8x2048xf32, #tpu.memory_space<hbm>>
    %dma_wait3A_95 = tpu.memref_squeeze %dma_wait3A_94 : memref<1x8x2048xf32, #tpu.memory_space<hbm>> -> memref<8x2048xf32, #tpu.memory_space<hbm>>
    %dma_wait3A_96 = tpu.memref_slice %arg8[%dma_wait3A_88] : memref<4x!tpu.dma_semaphore, #tpu.memory_space<semaphore_mem>> -> memref<1x!tpu.dma_semaphore, #tpu.memory_space<semaphore_mem>>
    %dma_wait3A_97 = tpu.memref_squeeze %dma_wait3A_96 : memref<1x!tpu.dma_semaphore, #tpu.memory_space<semaphore_mem>> -> memref<!tpu.dma_semaphore, #tpu.memory_space<semaphore_mem>>
    %dma_wait3A_98 = arith.constant 0 : i32
    %dma_wait3A_99 = tpu.memref_slice %arg4[%dma_wait3A_87, %add3A_86, %dma_wait3A_98] : memref<4x4096x2048xf32, #tpu.memory_space<hbm>> -> memref<1x8x2048xf32, #tpu.memory_space<hbm>>
    %dma_wait3A_100 = tpu.memref_squeeze %dma_wait3A_99 : memref<1x8x2048xf32, #tpu.memory_space<hbm>> -> memref<8x2048xf32, #tpu.memory_space<hbm>>
    %dma_wait3A_101 = arith.constant 0 : i32
    %dma_wait3A_102 = arith.constant 0 : i32
    %dma_wait3A_103 = tpu.memref_slice %arg5[%dma_wait3A, %dma_wait3A_101, %dma_wait3A_102] : memref<4x8x2048xf32, #tpu.memory_space<vmem>> -> memref<1x8x2048xf32, #tpu.memory_space<vmem>>
    %dma_wait3A_104 = tpu.memref_squeeze %dma_wait3A_103 : memref<1x8x2048xf32, #tpu.memory_space<vmem>> -> memref<8x2048xf32, #tpu.memory_space<vmem>>
    tpu.wait_dma2 semaphore(%dma_wait3A_97 : memref<!tpu.dma_semaphore, #tpu.memory_space<semaphore_mem>>) src(%dma_wait3A_104 : memref<8x2048xf32, #tpu.memory_space<vmem>>) dst(%dma_wait3A_100 : memref<8x2048xf32, #tpu.memory_space<hbm>>)
    %add3A_105 = arith.constant 120 : i32
    %add3A_106 = arith.addi %mul3A_2, %add3A_105 : i32
    %dma_wait3A_107 = arith.constant 1 : i32
    %dma_wait3A_108 = arith.constant 1 : i32
    %dma_wait3A_109 = arith.constant 1 : i32
    %dma_wait3A_110 = arith.constant 0 : i32
    %dma_wait3A_111 = arith.constant 0 : i32
    %dma_wait3A_112 = tpu.memref_slice %arg5[%dma_wait3A_107, %dma_wait3A_110, %dma_wait3A_111] : memref<4x8x2048xf32, #tpu.memory_space<vmem>> -> memref<1x8x2048xf32, #tpu.memory_space<vmem>>
    %dma_wait3A_113 = tpu.memref_squeeze %dma_wait3A_112 : memref<1x8x2048xf32, #tpu.memory_space<vmem>> -> memref<8x2048xf32, #tpu.memory_space<vmem>>
    %dma_wait3A_114 = arith.constant 0 : i32
    %dma_wait3A_115 = tpu.memref_slice %arg4[%dma_wait3A_108, %add3A_106, %dma_wait3A_114] : memref<4x4096x2048xf32, #tpu.memory_space<hbm>> -> memref<1x8x2048xf32, #tpu.memory_space<hbm>>
    %dma_wait3A_116 = tpu.memref_squeeze %dma_wait3A_115 : memref<1x8x2048xf32, #tpu.memory_space<hbm>> -> memref<8x2048xf32, #tpu.memory_space<hbm>>
    %dma_wait3A_117 = tpu.memref_slice %arg8[%dma_wait3A_109] : memref<4x!tpu.dma_semaphore, #tpu.memory_space<semaphore_mem>> -> memref<1x!tpu.dma_semaphore, #tpu.memory_space<semaphore_mem>>
    %dma_wait3A_118 = tpu.memref_squeeze %dma_wait3A_117 : memref<1x!tpu.dma_semaphore, #tpu.memory_space<semaphore_mem>> -> memref<!tpu.dma_semaphore, #tpu.memory_space<semaphore_mem>>
    %dma_wait3A_119 = arith.constant 0 : i32
    %dma_wait3A_120 = tpu.memref_slice %arg4[%dma_wait3A_108, %add3A_106, %dma_wait3A_119] : memref<4x4096x2048xf32, #tpu.memory_space<hbm>> -> memref<1x8x2048xf32, #tpu.memory_space<hbm>>
    %dma_wait3A_121 = tpu.memref_squeeze %dma_wait3A_120 : memref<1x8x2048xf32, #tpu.memory_space<hbm>> -> memref<8x2048xf32, #tpu.memory_space<hbm>>
    %dma_wait3A_122 = arith.constant 0 : i32
    %dma_wait3A_123 = arith.constant 0 : i32
    %dma_wait3A_124 = tpu.memref_slice %arg5[%dma_wait3A_107, %dma_wait3A_122, %dma_wait3A_123] : memref<4x8x2048xf32, #tpu.memory_space<vmem>> -> memref<1x8x2048xf32, #tpu.memory_space<vmem>>
    %dma_wait3A_125 = tpu.memref_squeeze %dma_wait3A_124 : memref<1x8x2048xf32, #tpu.memory_space<vmem>> -> memref<8x2048xf32, #tpu.memory_space<vmem>>
    tpu.wait_dma2 semaphore(%dma_wait3A_118 : memref<!tpu.dma_semaphore, #tpu.memory_space<semaphore_mem>>) src(%dma_wait3A_125 : memref<8x2048xf32, #tpu.memory_space<vmem>>) dst(%dma_wait3A_121 : memref<8x2048xf32, #tpu.memory_space<hbm>>)
    %add3A_126 = arith.constant 120 : i32
    %add3A_127 = arith.addi %mul3A_2, %add3A_126 : i32
    %dma_wait3A_128 = arith.constant 2 : i32
    %dma_wait3A_129 = arith.constant 2 : i32
    %dma_wait3A_130 = arith.constant 2 : i32
    %dma_wait3A_131 = arith.constant 0 : i32
    %dma_wait3A_132 = arith.constant 0 : i32
    %dma_wait3A_133 = tpu.memref_slice %arg5[%dma_wait3A_128, %dma_wait3A_131, %dma_wait3A_132] : memref<4x8x2048xf32, #tpu.memory_space<vmem>> -> memref<1x8x2048xf32, #tpu.memory_space<vmem>>
    %dma_wait3A_134 = tpu.memref_squeeze %dma_wait3A_133 : memref<1x8x2048xf32, #tpu.memory_space<vmem>> -> memref<8x2048xf32, #tpu.memory_space<vmem>>
    %dma_wait3A_135 = arith.constant 0 : i32
    %dma_wait3A_136 = tpu.memref_slice %arg4[%dma_wait3A_129, %add3A_127, %dma_wait3A_135] : memref<4x4096x2048xf32, #tpu.memory_space<hbm>> -> memref<1x8x2048xf32, #tpu.memory_space<hbm>>
    %dma_wait3A_137 = tpu.memref_squeeze %dma_wait3A_136 : memref<1x8x2048xf32, #tpu.memory_space<hbm>> -> memref<8x2048xf32, #tpu.memory_space<hbm>>
    %dma_wait3A_138 = tpu.memref_slice %arg8[%dma_wait3A_130] : memref<4x!tpu.dma_semaphore, #tpu.memory_space<semaphore_mem>> -> memref<1x!tpu.dma_semaphore, #tpu.memory_space<semaphore_mem>>
    %dma_wait3A_139 = tpu.memref_squeeze %dma_wait3A_138 : memref<1x!tpu.dma_semaphore, #tpu.memory_space<semaphore_mem>> -> memref<!tpu.dma_semaphore, #tpu.memory_space<semaphore_mem>>
    %dma_wait3A_140 = arith.constant 0 : i32
    %dma_wait3A_141 = tpu.memref_slice %arg4[%dma_wait3A_129, %add3A_127, %dma_wait3A_140] : memref<4x4096x2048xf32, #tpu.memory_space<hbm>> -> memref<1x8x2048xf32, #tpu.memory_space<hbm>>
    %dma_wait3A_142 = tpu.memref_squeeze %dma_wait3A_141 : memref<1x8x2048xf32, #tpu.memory_space<hbm>> -> memref<8x2048xf32, #tpu.memory_space<hbm>>
    %dma_wait3A_143 = arith.constant 0 : i32
    %dma_wait3A_144 = arith.constant 0 : i32
    %dma_wait3A_145 = tpu.memref_slice %arg5[%dma_wait3A_128, %dma_wait3A_143, %dma_wait3A_144] : memref<4x8x2048xf32, #tpu.memory_space<vmem>> -> memref<1x8x2048xf32, #tpu.memory_space<vmem>>
    %dma_wait3A_146 = tpu.memref_squeeze %dma_wait3A_145 : memref<1x8x2048xf32, #tpu.memory_space<vmem>> -> memref<8x2048xf32, #tpu.memory_space<vmem>>
    tpu.wait_dma2 semaphore(%dma_wait3A_139 : memref<!tpu.dma_semaphore, #tpu.memory_space<semaphore_mem>>) src(%dma_wait3A_146 : memref<8x2048xf32, #tpu.memory_space<vmem>>) dst(%dma_wait3A_142 : memref<8x2048xf32, #tpu.memory_space<hbm>>)
    %add3A_147 = arith.constant 120 : i32
    %add3A_148 = arith.addi %mul3A_2, %add3A_147 : i32
    %dma_wait3A_149 = arith.constant 3 : i32
    %dma_wait3A_150 = arith.constant 3 : i32
    %dma_wait3A_151 = arith.constant 3 : i32
    %dma_wait3A_152 = arith.constant 0 : i32
    %dma_wait3A_153 = arith.constant 0 : i32
    %dma_wait3A_154 = tpu.memref_slice %arg5[%dma_wait3A_149, %dma_wait3A_152, %dma_wait3A_153] : memref<4x8x2048xf32, #tpu.memory_space<vmem>> -> memref<1x8x2048xf32, #tpu.memory_space<vmem>>
    %dma_wait3A_155 = tpu.memref_squeeze %dma_wait3A_154 : memref<1x8x2048xf32, #tpu.memory_space<vmem>> -> memref<8x2048xf32, #tpu.memory_space<vmem>>
    %dma_wait3A_156 = arith.constant 0 : i32
    %dma_wait3A_157 = tpu.memref_slice %arg4[%dma_wait3A_150, %add3A_148, %dma_wait3A_156] : memref<4x4096x2048xf32, #tpu.memory_space<hbm>> -> memref<1x8x2048xf32, #tpu.memory_space<hbm>>
    %dma_wait3A_158 = tpu.memref_squeeze %dma_wait3A_157 : memref<1x8x2048xf32, #tpu.memory_space<hbm>> -> memref<8x2048xf32, #tpu.memory_space<hbm>>
    %dma_wait3A_159 = tpu.memref_slice %arg8[%dma_wait3A_151] : memref<4x!tpu.dma_semaphore, #tpu.memory_space<semaphore_mem>> -> memref<1x!tpu.dma_semaphore, #tpu.memory_space<semaphore_mem>>
    %dma_wait3A_160 = tpu.memref_squeeze %dma_wait3A_159 : memref<1x!tpu.dma_semaphore, #tpu.memory_space<semaphore_mem>> -> memref<!tpu.dma_semaphore, #tpu.memory_space<semaphore_mem>>
    %dma_wait3A_161 = arith.constant 0 : i32
    %dma_wait3A_162 = tpu.memref_slice %arg4[%dma_wait3A_150, %add3A_148, %dma_wait3A_161] : memref<4x4096x2048xf32, #tpu.memory_space<hbm>> -> memref<1x8x2048xf32, #tpu.memory_space<hbm>>
    %dma_wait3A_163 = tpu.memref_squeeze %dma_wait3A_162 : memref<1x8x2048xf32, #tpu.memory_space<hbm>> -> memref<8x2048xf32, #tpu.memory_space<hbm>>
    %dma_wait3A_164 = arith.constant 0 : i32
    %dma_wait3A_165 = arith.constant 0 : i32
    %dma_wait3A_166 = tpu.memref_slice %arg5[%dma_wait3A_149, %dma_wait3A_164, %dma_wait3A_165] : memref<4x8x2048xf32, #tpu.memory_space<vmem>> -> memref<1x8x2048xf32, #tpu.memory_space<vmem>>
    %dma_wait3A_167 = tpu.memref_squeeze %dma_wait3A_166 : memref<1x8x2048xf32, #tpu.memory_space<vmem>> -> memref<8x2048xf32, #tpu.memory_space<vmem>>
    tpu.wait_dma2 semaphore(%dma_wait3A_160 : memref<!tpu.dma_semaphore, #tpu.memory_space<semaphore_mem>>) src(%dma_wait3A_167 : memref<8x2048xf32, #tpu.memory_space<vmem>>) dst(%dma_wait3A_163 : memref<8x2048xf32, #tpu.memory_space<hbm>>)
    return
  }
}

</mosaic_0001>

<sc_bundles>
// kernel: kernel.3.cloned.1.call-start
scs
__scs_entry_jumppad:
0x0: {  	(pc) =	sbr.rel $0x88, $3  }
0x1: {  	(tag) =	ssettag $0x0;
	lr =	simm.s32 $0x1  }
0x2: {  	[smem:$0x3F9F] =	sst lr;
	_ =	strace $0xD0000000  }
0x3: {  	_ = 	snop  }
0x4: {  	_ = 	snop  }
0x5: {  	_ = 	snop  }
0x6: {  	_ = 	snop  }
0x7: {  	_ = 	snop  }
__scs_overlays_trampoline_lowered:
0x8: {  	[smem:$0x3FAE] =	sst s0  }
0x9: {  	[smem:$0x3FAF] =	sst s1  }
0xa: {  	[smem:$0x3FB0] =	sst s2  }
0xb: {  	[smem:$0x3FB1] =	sst s3  }
0xc: {  	[smem:$0x3FB2] =	sst s4  }
0xd: {  	[smem:$0x3FB3] =	sst s5  }
0xe: {  	[smem:$0x3FB4] =	sst s6  }
0xf: {  	[smem:$0x3FB5] =	sst s7  }
0x10: {  	[smem:$0x3FB6] =	sst s8  }
0x11: {  	[smem:$0x3FB7] =	sst s9;
	s0 =	simm.s32 @!p0 $0x0  }
0x12: {  	s1 =	sld [smem:$0x3F9D];
	s0 =	simm.s32 @p0 $0x1  }
0x13: {  	[smem:$0x3FB8] =	sst s0;
	s0 =	simm.s32 @!p1 $0x0  }
0x14: {  	s2 =	sld [smem:$0x3F9C];
	s0 =	simm.s32 @p1 $0x1  }
0x15: {  	[smem:$0x3FB9] =	sst s0;
	s0 =	simm.s32 @!p2 $0x0  }
0x16: {  	s3 =	sld [smem:$0x3FDB];
	s0 =	simm.s32 @p2 $0x1  }
0x17: {  	s4 =	simm.s32 $0x1BF5;
	[smem:$0x3FBB] =	sst s0  }
0x18: {  	s0 =	sld [smem:$0x3F9E];
	_ =	swait.ge [sflag:s4], $0x0  }
0x19: {  	s7 =	sld [smem:$0x3F9F]  }
0x1a: {  	s8 =	sadd.s32 $0xFFFFE003, lr  }
0x1b: {  	s9 =	sadd.s32 $0xFFFFFEF7, lr;
	s5 =	simm.s32 $0xFFFFFFFF;
	p2 =	slt.u32 s8, $0xFFFFF086  }
0x1c: {  	p1 =	slt.u32 s9, $0xF7A;
	s5 =	simm.s32 @!p2 $0x0  }
0x1d: {  	s5 =	simm.s32 @p1 $0x1;
	p0 =	seq.s32 s7, s2  }
0x1e: {  	s7 =	smul.u32 @!p0 $0xF7A, s2;
	p2 =	seq.s32 @!p0 s5, $0x0  }
0x1f: {  	s9 =	smul.u32 $0xF7A, s1;
	s8 =	simm.s32 @!p0 $0x1BF5;
	p2 =	por !p2, p0  }
0x20: {  	[sflag:s8] =	ssyncset.s32 @!p0 $0xFFFFF086;
	s6 =	sadd.s32 @!p0 s3, s7;
	s7 =	simm.s32 @!p0 $0x108  }
0x21: {  	s3 =	sadd.s32 s3, s9;
	s6 =	sadd.s32 @!p0 $0x88, s6;
	s7 =	simm.s32 @p2 $0x1082  }
0x22: {  	[simem:s7], [sflag:s8] =	dma.local @!p0 [hbm:s6], $0xF7A  }
0x23: {  	s9 =	sor.u32 $0xD0000000, s2;
	s6 =	simm.s32 $0x108;
	_ =	swait.ge @!p0 [sflag:s8], $0x0  }
0x24: {  	s3 =	sadd.s32 $0x88, s3;
	s6 =	simm.s32 @!p1 $0x1082;
	[sflag:s4] =	ssyncset.s32 $0xFFFFF086  }
0x25: {  	[simem:s6], [sflag:s4] =	dma.local [hbm:s3], $0xF7A  }
0x26: {  	[smem:$0x3F9F] =	sst s1;
	(tag) =	ssettag s2;
	_ =	strace s9  }
0x27: {  	s1 =	sld [smem:$0x3FAF]  }
0x28: {  	s2 =	sld [smem:$0x3FB0]  }
0x29: {  	s4 =	sld [smem:$0x3FB2]  }
0x2a: {  	p0 =	seq.s32 s5, $0x0;
	s5 =	sld [smem:$0x3FB3]  }
0x2b: {  	s6 =	sld [smem:$0x3FB4]  }
0x2c: {  	s7 =	sld [smem:$0x3FB5]  }
0x2d: {  	s3 =	simm.s32 $0x108;
	s8 =	sld [smem:$0x3FB6]  }
0x2e: {  	s3 =	simm.s32 @!p0 $0x1082;
	s9 =	sld [smem:$0x3FB7]  }
0x2f: {  	lr =	sadd.s32 s0, s3;
	s0 =	sld [smem:$0x3FAE]  }
0x30: {  	s3 =	sld [smem:$0x3FB1]  }
0x31: {  	[smem:$0x3FBA] =	sst s10  }
0x32: {  	s10 =	sld [smem:$0x3FB8];
	_ =	sdelay $0x3  }
0x33: {  	p0 =	seq.s32 s10, $0x1;
	s10 =	sld [smem:$0x3FBA];
	_ =	sdelay $0x3  }
0x34: {  	[smem:$0x3FBA] =	sst s10  }
0x35: {  	s10 =	sld [smem:$0x3FB9];
	_ =	sdelay $0x3  }
0x36: {  	p1 =	seq.s32 s10, $0x1;
	s10 =	sld [smem:$0x3FBA];
	_ =	sdelay $0x3  }
0x37: {  	[smem:$0x3FBA] =	sst s10  }
0x38: {  	s10 =	sld [smem:$0x3FBB]  }
0x39: {  	_ = 	snop;
	(pc) =	sbr.ind lr, $3  }
0x3a: {  	_ = 	snop  }
0x3b: {  	_ = 	snop  }
0x3c: {  	p2 =	seq.s32 s10, $0x1;
	s10 =	sld [smem:$0x3FBA]  }
0x3d: {  	_ =	shalt  }
0x3e: {  	_ =	shalt  }
0x3f: {  	_ =	shalt  }
0x40: {  	_ =	shalt  }
0x41: {  	_ =	shalt  }
0x42: {  	_ =	shalt  }
0x43: {  	_ =	shalt  }
0x44: {  	_ =	shalt  }
0x45: {  	_ =	shalt  }
0x46: {  	_ =	shalt  }
0x47: {  	_ =	shalt  }
0x48: {  	_ =	shalt  }
0x49: {  	_ =	shalt  }
0x4a: {  	_ =	shalt  }
0x4b: {  	_ =	shalt  }
0x4c: {  	_ =	shalt  }
0x4d: {  	_ =	shalt  }
0x4e: {  	_ =	shalt  }
0x4f: {  	_ =	shalt  }
0x50: {  	_ =	shalt  }
0x51: {  	_ =	shalt  }
0x52: {  	_ =	shalt  }
0x53: {  	_ =	shalt  }
0x54: {  	_ =	shalt  }
0x55: {  	_ =	shalt  }
0x56: {  	_ =	shalt  }
0x57: {  	_ =	shalt  }
0x58: {  	_ =	shalt  }
0x59: {  	_ =	shalt  }
0x5a: {  	_ =	shalt  }
0x5b: {  	_ =	shalt  }
0x5c: {  	_ =	shalt  }
0x5d: {  	_ =	shalt  }
0x5e: {  	_ =	shalt  }
0x5f: {  	_ =	shalt  }
0x60: {  	_ =	shalt  }
0x61: {  	_ =	shalt  }
0x62: {  	_ =	shalt  }
0x63: {  	_ =	shalt  }
0x64: {  	_ =	shalt  }
0x65: {  	_ =	shalt  }
0x66: {  	_ =	shalt  }
0x67: {  	_ =	shalt  }
0x68: {  	_ =	shalt  }
0x69: {  	_ =	shalt  }
0x6a: {  	_ =	shalt  }
0x6b: {  	_ =	shalt  }
0x6c: {  	_ =	shalt  }
0x6d: {  	_ =	shalt  }
0x6e: {  	_ =	shalt  }
0x6f: {  	_ =	shalt  }
0x70: {  	_ =	shalt  }
0x71: {  	_ =	shalt  }
0x72: {  	_ =	shalt  }
0x73: {  	_ =	shalt  }
0x74: {  	_ =	shalt  }
0x75: {  	_ =	shalt  }
0x76: {  	_ =	shalt  }
0x77: {  	_ =	shalt  }
0x78: {  	_ =	shalt  }
0x79: {  	_ =	shalt  }
0x7a: {  	_ =	shalt  }
0x7b: {  	_ =	shalt  }
0x7c: {  	_ =	shalt  }
0x7d: {  	_ =	shalt  }
0x7e: {  	_ =	shalt  }
0x7f: {  	_ =	shalt  }
0x80: {  	_ =	shalt  }
0x81: {  	_ =	shalt  }
0x82: {  	_ =	shalt  }
0x83: {  	_ =	shalt  }
0x84: {  	_ =	shalt  }
0x85: {  	_ =	shalt  }
0x86: {  	_ =	shalt  }
0x87: {  	_ =	shalt  }
.Lfunc_end0:
.L_simem_size_0:
called_computation_lowered:
.L_overlay_start_0:
0x88: {  	s2 =	sld [smem:$0x3FD9]  }
0x89: {  	s3 =	sld [smem:$0x3FFE];
	_ =	sdelay $0x1  }
0x8a: {  	s1 =	srdreg.scid  }
0x8b: {  	s0 =	sand.u32 $0x1, s1  }
0x8c: {  	s18 =	sshll.u32 s0, $0xA;
	s2 =	sadd.s32 s3, s2  }
0x8d: {  	s2 =	sadd.s32 s2, s18  }
0x8e: {  	[smem:$0x3FC6] =	sst s2  }
0x8f: {  	_ = 	snop  }
0x90: {  	s2 =	sld [smem:$0x3FC9]  }
0x91: {  	s19 =	sld [smem:$0x3FC8]  }
0x92: {  	s4 =	sld [smem:$0x3FD0];
	(tm) =	ssettm $0x1  }
0x93: {  	s5 =	sld [smem:$0x3FFB];
	_ =	sdelay $0x3  }
0x94: {  	_ =	strace s5  }
0x95: {  	s5 =	sld [smem:$0x3FFC];
	_ =	sdelay $0x3  }
0x96: {  	_ =	strace s5  }
0x97: {  	s5 =	sld [smem:$0x3FFD];
	_ =	sdelay $0x3  }
0x98: {  	_ =	strace s5  }
0x99: {  	_ =	strace $0x8FFFFFFF  }
0x9a: {  	s20 =	sld [smem:$0x3FDB];
	_ =	sdelay $0x1  }
0x9b: {  	s6 =	simm.s32 $_scs_section_size  }
0x9c: {  	s7 =	simm.s32 $_size__tile_overlayer_lowered;
	s8 =	simm.s32 $_tile_overlayer_lowered  }
0x9d: {  	s23 =	simm.s32 $0x1BFF;
	s22 =	sshll.u32 s8, $0x1;
	s5 =	sadd.s32 s6, s20  }
0x9e: {  	s9 =	simm.s32 $0x0;
	s21 =	sshll.u32 s7, $0x1;
	s7 =	sadd.s32 s22, s5  }
0x9f: {  	[timem:s9], [sflag:s23] =	dma.local [hbm:s7], s21  }
0xa0: {  	_ =	swait.ge [sflag:s23], s21  }
0xa1: {  	s6 =	ssub.s32 $0x0, s21;
	[sflag:s23] =	ssyncset.done $0x0  }
0xa2: {  	[sflag:s23] =	ssyncadd.s32 s6;
	_ =	sdelay $0x1  }
0xa3: {  	s24 =	simm.s32 $0x1B8B  }
0xa4: {  	_ =	swait.ge [sflag:s24], $0x1  }
0xa5: {  	[sflag:s24] =	ssyncset.done $0x0  }
0xa6: {  	s25 =	simm.s32 $0x1B8E;
	[sflag:s24] =	ssyncadd.s32 $0xFFFFFFFF  }
0xa7: {  	s26 =	simm.s32 $execute0_lowered;
	[smem:$0x3FD2] =	sst s25  }
0xa8: {  	s6 =	sshll.u32 s26, $0x1;
	_ =	strace $0x80000046;
	[dreg:$0x1] =	wrdreg $0xFFFFFFFF  }
0xa9: {  	s28 =	simm.s32 $_size_execute0_lowered;
	s5 =	sadd.s32 s5, s6;
	[dreg:$0x0] =	wrdreg $0x0  }
0xaa: {  	s6 =	sshll.u32 s28, $0x1;
	[dreg:$0x2] =	wrdreg s5  }
0xab: {  	[dreg:$0x3] =	wrdreg s6  }
0xac: {  	[dreg:$0x4] =	wrdreg $0xC0  }
0xad: {  	_ =	task [dreg:s9], $0x5FFFF  }
0xae: {  	[dreg:$0x1] =	wrdreg $0xFFFFFFFF  }
0xaf: {  	[dreg:$0x0] =	wrdreg $0x60  }
0xb0: {  	[dreg:$0x2] =	wrdreg s2  }
0xb1: {  	[dreg:$0x3] =	wrdreg s19  }
0xb2: {  	[dreg:$0x4] =	wrdreg s4  }
0xb3: {  	[dreg:$0x5] =	wrdreg $0x9  }
0xb4: {  	_ =	task.clear_ibuf [dreg:s9], $0x6FFFF;
	_ =	strace $0x90000046  }
0xb5: {  	s29 =	simm.s32 $0x9;
	_ =	strace $0x80000048  }
0xb6: {  	_ =	swait.ge [sflag:s29], $0x1  }
0xb7: {  	[sflag:s29] =	ssyncadd.s32 $0xFFFFFFFF  }
0xb8: {  	_ =	strace $0x90000048  }
0xb9: {  	_ =	sfence  }
0xba: {  	s30 =	sld [smem:$0x0];
	_ =	sdelay $0x2  }
0xbb: {  	s31 =	sshll.u32 s1, $0xD;
	s1 =	sshrl.u32 s1, $0x2  }
0xbc: {  	s3 =	sand.u32 $0x4000, s31;
	s1 =	sadd.s32 s1, s30  }
0xbd: {  	s0 =	sor.u32 s3, s0;
	s1 =	sshll.u32 s1, $0x11  }
0xbe: {  	s0 =	sor.u32 s1, s0  }
0xbf: {  	s0 =	sadd.s32 $0x8F2B, s0  }
0xc0: {  	[sflag:s0] =	ssyncadd.remote.s32 $0x1  }
0xc1: {  	_ =	sfence.sel $0xFFFF  }
0xc2: {  	[dreg:$0x0] =	wrdreg $0xFFFFFFFF;
	(pc) =	sbr.abs _section_cstart, $3  }
0xc3: {  	[dreg:$0x1] =	wrdreg $0xFFFFFFFF  }
0xc4: {  	_ =	task.clear_ibuf [dreg:s9], $0x2FFFF;
	_ =	strace $0x9FFFFFFF  }
0xc5: {  	(tm) =	ssettm $0x7FFFFFFF  }
tec
execute0_lowered:
.L_overlay_start_1:
0x0: {  	(tag) =	ssettag $0x1  }
0x1: {  	s0 =	srdreg.scid  }
0x2: {  	s1 =	rddreg [dreg:$0x0];
	s4 =	stileid.u32;
	s0 =	sand.u32 $0x1, s0  }
0x3: {  	s2 =	rddreg [dreg:$0x1];
	s5 =	sshll.u32 s4, $0x8;
	s6 =	sshll.u32 s0, $0x7  }
0x4: {  	s3 =	rddreg [dreg:$0x2];
	s0 =	ssub.s32 $0x2, s0;
	s5 =	sor.u32 s6, s5  }
0x5: {  	s4 =	simm.s32 $0x0;
	s7 =	sshrl.u32 s0, $0x1;
	s6 =	sshll.u32 s5, $0x8  }
0x6: {  	[smem:$0x7FF] =	sst s4;
	s0 =	ssub.s32 s0, s7;
	s8 =	sadd.s32 s1, s6  }
0x7: {  	_ =	strace $0x80000047;
	s0 =	smax.u32 s0, $0x1;
	[dreg:$0x4] =	wrdreg s8  }
0x8: {  	s2 =	sadd.s32 s2, s6;
	[dreg:$0x8] =	wrdreg s0  }
0x9: {  	s19 =	simm.s32 $0x8;
	s30 =	sadd.s32 $0x100000, s8;
	[dreg:$0x5] =	wrdreg s2  }
0xa: {  	s20 =	simm.s32 $0x0;
	s31 =	sadd.s32 $0x200000, s8;
	[dreg:$0x6] =	wrdreg s30  }
0xb: {  	s10 =	sshrl.u32 s5, $0x3;
	s12 =	sadd.s32 $0x800, s2;
	[dreg:$0x7] =	wrdreg s31  }
.LBB2_1:
0xc: {  	s0 =	rddreg [dreg:$0x5]  }
0xd: {  	s2 =	simm.s32 $0x10000;
	s26 =	rddreg [dreg:$0x4]  }
0xe: {  	[tilespmem:s2], [sflag:$0x9] =	stream.linear.gather [hbm4b:s0+s4], $0x4000, $0x38;
	[tilespmem:$0x18000] =	vst v63  }
0xf: {  	s28 =	rddreg [dreg:$0x6]  }
0x10: {  	[tilespmem:s4], [sflag:$0x1] =	stream.linear.gather [hbm4b:s26+s4], $0x4000, $0x38;
	[tilespmem:$0x18000] =	vst v63  }
0x11: {  	s29 =	simm.s32 $0x4000;
	s30 =	rddreg [dreg:$0x7]  }
0x12: {  	[tilespmem:s29], [sflag:$0x2] =	stream.linear.gather [hbm4b:s28+s4], $0x4000, $0x38;
	[tilespmem:$0x18000] =	vst v63  }
0x13: {  	s31 =	simm.s32 $0x8000;
	s21 =	simm.s32 $0x0;
	s22 =	simm.s32 $0x0  }
0x14: {  	[tilespmem:s31], [sflag:$0x3] =	stream.linear.gather [hbm4b:s30+s4], $0x4000, $0x38;
	[tilespmem:$0x18000] =	vst v63  }
.LBB2_2:
0x15: {  	s26 =	sand.u32 $0x3, s22  }
0x16: {  	p0 =	sne.s32 s26, $0x0  }
0x17: {  	s28 =	sshrl.u32 s22, $0x2;
	p1 =	sgt.u32 @!p0 s22, $0x3B  }
0x18: {  	s0 =	sand.u32 $0x1, s28;
	p1 =	por p1, p0  }
0x19: {  	s2 =	sxor.u32 @!p1 $0x1, s0  }
0x1a: {  	s7 =	sshll.u32 @!p1 s28, $0xB;
	s8 =	simm.s32 @!p1 $0x0;
	s6 =	sshll.u32 @!p1 s2, $0xE  }
0x1b: {  	s2 =	sadd.s32 @!p1 $0x9, s2;
	s7 =	sadd.s32 @!p1 s12, s7;
	s6 =	sor.u32 @!p1 $0x10000, s6  }
0x1c: {  	[tilespmem:s6], [sflag:s2] =	stream.linear.gather @!p1 [hbm4b:s7+s8], $0x4000, $0x38;
	[tilespmem:$0x18000] =	vst v63  }
0x1d: {  	s2 =	sadd.s32 @!p0 $0x9, s0  }
0x1e: {  	_ =	swait.ge @!p0 [sflag:s2], $0x4000  }
0x1f: {  	s24 =	sshll.u32 s21, $0xE;
	[sflag:s2] =	ssyncset.done @!p0 $0x0  }
0x20: {  	s25 =	sadd.s32 $0x1, s26;
	[sflag:s2] =	ssyncadd.s32 @!p0 $0xFFFFC000;
	p0 =	sgt.u32 s22, $0x3C  }
0x21: {  	s7 =	sadd.s32 $0x3, s22;
	_ =	swait.ge [sflag:s25], $0x4000;
	p1 =	seq.s32 @!p0 s22, $0x0  }
0x22: {  	s8 =	sand.u32 @!p0 $0x3, s7;
	[sflag:s25] =	ssyncset.done $0x0;
	p1 =	por p1, p0  }
0x23: {  	s11 =	sand.u32 $0xC000, s24;
	[sflag:s25] =	ssyncadd.s32 $0xFFFFC000;
	s2 =	sadd.s32 @!p1 $0x5, s8  }
0x24: {  	s17 =	sshll.u32 s0, $0xE;
	s0 =	sshll.u32 @!p0 s7, $0x1;
	_ =	swait.ge @!p1 [sflag:s2], $0x4000  }
0x25: {  	s6 =	sor.u32 $0x40, s11;
	s0 =	sand.u32 @!p0 $0xF8, s0;
	[sflag:s2] =	ssyncset.done @!p1 $0x0  }
0x26: {  	s0 =	sadd.s32 @!p0 s5, s0;
	[sflag:s2] =	ssyncadd.s32 @!p1 $0xFFFFC000;
	s2 =	sshll.u32 @!p0 s8, $0x14  }
0x27: {  	s7 =	sshll.u32 @!p0 s8, $0xE;
	s0 =	sshll.u32 @!p0 s0, $0x8;
	s2 =	sadd.s32 @!p0 s1, s2  }
0x28: {  	s8 =	sadd.s32 @!p0 $0x1, s8;
	s0 =	sadd.s32 @!p0 s0, s2;
	s2 =	simm.s32 @!p0 $0x0  }
0x29: {  	[tilespmem:s7], [sflag:s8] =	stream.linear.gather @!p0 [hbm4b:s0+s2], $0x4000, $0x38;
	[tilespmem:$0x18000] =	vst v63  }
0x2a: {  	s16 =	sor.u32 $0x10040, s17;
	v1 =	vld [tilespmem:s6+$0x30]  }
0x2b: {  	v2 =	vld [tilespmem:s16+$0x30]  }
0x2c: {  	v0 =	vld [tilespmem:s16+$0xFFFFFFC0]  }
0x2d: {  	v3 =	vld [tilespmem:s6+$0xFFFFFFD0]  }
0x2e: {  	v4 =	vld [tilespmem:s16+$0xFFFFFFD0]  }
0x2f: {  	v5 =	vld [tilespmem:s6+$0xFFFFFFE0]  }
0x30: {  	v6 =	vld [tilespmem:s16+$0xFFFFFFE0]  }
0x31: {  	v7 =	vld [tilespmem:s6+$0xFFFFFFF0]  }
0x32: {  	v8 =	vld [tilespmem:s16+$0xFFFFFFF0]  }
0x33: {  	v9 =	vld [tilespmem:s6+$0x0]  }
0x34: {  	s23 =	sshll.u32 s26, $0xE;
	s24 =	sor.u32 $0x3F0, s11;
	v10 =	vld [tilespmem:s16+$0x0];
	v2 =	vadd.f32 v2, v1  }
0x35: {  	s29 =	sor.u32 $0x370, s11;
	s31 =	sor.u32 $0x2F0, s11;
	s14 =	sor.u32 $0x1F0, s11;
	v3 =	vadd.f32 v4, v3;
	v1 =	vld [tilespmem:s6+$0x10]  }
0x36: {  	s30 =	sor.u32 $0x10370, s17;
	s13 =	sor.u32 $0x10270, s17;
	s15 =	sor.u32 $0x101F0, s17;
	v4 =	vadd.f32 v6, v5;
	[tilespmem:s6+$0x30] =	vst v2;
	v2 =	vld [tilespmem:s16+$0x10]  }
0x37: {  	s9 =	sor.u32 $0x10170, s17;
	s18 =	sadd.s32 $0x400, s6;
	s25 =	sor.u32 $0x103F0, s17;
	v6 =	vadd.f32 v8, v7;
	[tilespmem:s6+$0xFFFFFFD0] =	vst v3;
	v3 =	vld [tilespmem:s6+$0x20]  }
0x38: {  	s2 =	sor.u32 $0x102F0, s17;
	s0 =	sor.u32 $0x270, s11;
	s8 =	sor.u32 $0x170, s11;
	[tilespmem:s6+$0xFFFFFFE0] =	vst v4;
	v4 =	vld [tilespmem:s16+$0x20]  }
0x39: {  	s11 =	sor.u32 $0xF0, s11;
	s7 =	sor.u32 $0x100F0, s17;
	s17 =	simm.s32 $0x0;
	v5 =	vld [tilespmem:s6+$0xFFFFFFC0];
	[tilespmem:s6+$0xFFFFFFF0] =	vst v6;
	v6 =	vadd.f32 v10, v9  }
.LBB2_3:
0x3a: {  	v7 =	vld [tilespmem:s18+$0x30];
	s16 =	sadd.s32 $0x400, s16  }
0x3b: {  	s17 =	sadd.s32 $0x80, s17;
	v8 =	vld [tilespmem:s16+$0x30];
	[tilespmem:s6+$0x0] =	vst v6;
	v1 =	vadd.f32 v2, v1  }
0x3c: {  	p0 =	slt.u32 s17, $0x780;
	v2 =	vld [tilespmem:s16+$0xFFFFFFC0]  }
0x3d: {  	v6 =	vld [tilespmem:s18+$0xFFFFFFD0];
	[tilespmem:s6+$0x10] =	vst v1;
	v1 =	vadd.f32 v4, v3  }
0x3e: {  	v3 =	vld [tilespmem:s16+$0xFFFFFFD0];
	v9 =	vadd.f32 v0, v5  }
0x3f: {  	v4 =	vld [tilespmem:s18+$0xFFFFFFE0];
	[tilespmem:s6+$0x20] =	vst v1  }
0x40: {  	v1 =	vld [tilespmem:s16+$0xFFFFFFE0];
	v5 =	vadd.f32 v8, v7;
	[tilespmem:s6+$0xFFFFFFC0] =	vst v9;
	s6 =	smov.u32 s18  }
0x41: {  	v7 =	vld [tilespmem:s18+$0xFFFFFFF0];
	v0 =	vmov v2  }
0x42: {  	v8 =	vld [tilespmem:s16+$0xFFFFFFF0];
	[tilespmem:s18+$0x30] =	vst v5  }
0x43: {  	v2 =	vadd.f32 v3, v6;
	v6 =	vld [tilespmem:s18+$0x0]  }
0x44: {  	v9 =	vld [tilespmem:s16+$0x0]  }
.Ltmp0:
0x45: {  	[tilespmem:s18+$0xFFFFFFD0] =	vst v2;
	v3 =	vadd.f32 v1, v4;
	v1 =	vld [tilespmem:s18+$0x10];
	(pc) =	sbr.rel @p0 .LBB2_3-.Ltmp0, $4  }
0x46: {  	v2 =	vld [tilespmem:s16+$0x10]  }
0x47: {  	[tilespmem:s18+$0xFFFFFFE0] =	vst v3;
	v7 =	vadd.f32 v8, v7;
	v3 =	vld [tilespmem:s18+$0x20]  }
0x48: {  	v4 =	vld [tilespmem:s16+$0x20]  }
0x49: {  	s18 =	sadd.s32 $0x400, s18;
	v5 =	vld [tilespmem:s6+$0xFFFFFFC0];
	[tilespmem:s6+$0xFFFFFFF0] =	vst v7;
	v6 =	vadd.f32 v9, v6  }
0x4a: {  	_ =	sdelay $0x1  }
0x4b: {  	v1 =	vadd.f32 v2, v1  }
0x4c: {  	[tilespmem:s6+$0x0] =	vst v6;
	v2 =	vadd.f32 v4, v3  }
0x4d: {  	s16 =	sshll.u32 s26, $0x14;
	s17 =	sadd.s32 s10, s28;
	[tilespmem:s6+$0x10] =	vst v1;
	v0 =	vadd.f32 v0, v5  }
0x4e: {  	s17 =	sshll.u32 s17, $0xB;
	s16 =	sadd.s32 s3, s16;
	[tilespmem:s6+$0x20] =	vst v2  }
0x4f: {  	s26 =	sadd.s32 $0x5, s26;
	s28 =	sadd.s32 s17, s16;
	[tilespmem:s6+$0xFFFFFFC0] =	vst v0  }
0x50: {  	[hbm4b:s28+s4] =	stream.linear.scatter [tilespmem:s23], [sflag:s26], $0x80, $0x38;
	[tilespmem:$0x18000] =	vst v63  }
0x51: {  	s18 =	sadd.s32 $0x400, s23;
	s16 =	sadd.s32 $0x80, s28  }
0x52: {  	[hbm4b:s16+s4] =	stream.linear.scatter [tilespmem:s18], [sflag:s26], $0x80, $0x38;
	[tilespmem:$0x18000] =	vst v63  }
0x53: {  	s17 =	sadd.s32 $0x800, s23;
	s18 =	sadd.s32 $0x100, s28  }
0x54: {  	[hbm4b:s18+s4] =	stream.linear.scatter [tilespmem:s17], [sflag:s26], $0x80, $0x38;
	[tilespmem:$0x18000] =	vst v63  }
0x55: {  	s17 =	sadd.s32 $0xC00, s23;
	s18 =	sadd.s32 $0x180, s28  }
0x56: {  	[hbm4b:s18+s4] =	stream.linear.scatter [tilespmem:s17], [sflag:s26], $0x80, $0x38;
	[tilespmem:$0x18000] =	vst v63  }
0x57: {  	s17 =	sadd.s32 $0x1000, s23;
	s18 =	sadd.s32 $0x200, s28  }
0x58: {  	[hbm4b:s18+s4] =	stream.linear.scatter [tilespmem:s17], [sflag:s26], $0x80, $0x38;
	[tilespmem:$0x18000] =	vst v63  }
0x59: {  	s17 =	sadd.s32 $0x1400, s23;
	s18 =	sadd.s32 $0x280, s28  }
0x5a: {  	[hbm4b:s18+s4] =	stream.linear.scatter [tilespmem:s17], [sflag:s26], $0x80, $0x38;
	[tilespmem:$0x18000] =	vst v63  }
0x5b: {  	s17 =	sadd.s32 $0x1800, s23;
	s18 =	sadd.s32 $0x300, s28  }
0x5c: {  	[hbm4b:s18+s4] =	stream.linear.scatter [tilespmem:s17], [sflag:s26], $0x80, $0x38;
	[tilespmem:$0x18000] =	vst v63  }
0x5d: {  	s17 =	sadd.s32 $0x1C00, s23;
	s18 =	sadd.s32 $0x380, s28  }
0x5e: {  	[hbm4b:s18+s4] =	stream.linear.scatter [tilespmem:s17], [sflag:s26], $0x80, $0x38;
	[tilespmem:$0x18000] =	vst v63  }
0x5f: {  	s17 =	sadd.s32 $0x2000, s23;
	s18 =	sadd.s32 $0x400, s28  }
0x60: {  	[hbm4b:s18+s4] =	stream.linear.scatter [tilespmem:s17], [sflag:s26], $0x80, $0x38;
	[tilespmem:$0x18000] =	vst v63  }
0x61: {  	s17 =	sadd.s32 $0x2400, s23;
	s18 =	sadd.s32 $0x480, s28  }
0x62: {  	[hbm4b:s18+s4] =	stream.linear.scatter [tilespmem:s17], [sflag:s26], $0x80, $0x38;
	[tilespmem:$0x18000] =	vst v63  }
0x63: {  	s17 =	sadd.s32 $0x2800, s23;
	s18 =	sadd.s32 $0x500, s28  }
0x64: {  	[hbm4b:s18+s4] =	stream.linear.scatter [tilespmem:s17], [sflag:s26], $0x80, $0x38;
	[tilespmem:$0x18000] =	vst v63  }
0x65: {  	s17 =	sadd.s32 $0x2C00, s23;
	s18 =	sadd.s32 $0x580, s28  }
0x66: {  	[hbm4b:s18+s4] =	stream.linear.scatter [tilespmem:s17], [sflag:s26], $0x80, $0x38;
	[tilespmem:$0x18000] =	vst v63  }
0x67: {  	s17 =	sadd.s32 $0x3000, s23;
	s18 =	sadd.s32 $0x600, s28  }
0x68: {  	[hbm4b:s18+s4] =	stream.linear.scatter [tilespmem:s17], [sflag:s26], $0x80, $0x38;
	[tilespmem:$0x18000] =	vst v63  }
0x69: {  	s17 =	sadd.s32 $0x3400, s23;
	s18 =	sadd.s32 $0x680, s28  }
0x6a: {  	[hbm4b:s18+s4] =	stream.linear.scatter [tilespmem:s17], [sflag:s26], $0x80, $0x38;
	[tilespmem:$0x18000] =	vst v63  }
0x6b: {  	s17 =	sadd.s32 $0x3800, s23;
	s18 =	sadd.s32 $0x700, s28  }
0x6c: {  	[hbm4b:s18+s4] =	stream.linear.scatter [tilespmem:s17], [sflag:s26], $0x80, $0x38;
	[tilespmem:$0x18000] =	vst v63  }
0x6d: {  	s17 =	sadd.s32 $0x3C00, s23;
	s18 =	sadd.s32 $0x780, s28  }
0x6e: {  	[hbm4b:s18+s4] =	stream.linear.scatter [tilespmem:s17], [sflag:s26], $0x80, $0x38;
	[tilespmem:$0x18000] =	vst v63  }
0x6f: {  	v1 =	vld [tilespmem:s11+$0x0]  }
0x70: {  	v2 =	vld [tilespmem:s7+$0x0]  }
0x71: {  	v0 =	vld [tilespmem:s7+$0xFFFFFF90]  }
0x72: {  	v3 =	vld [tilespmem:s11+$0xFFFFFFA0]  }
0x73: {  	v4 =	vld [tilespmem:s7+$0xFFFFFFA0]  }
0x74: {  	v5 =	vld [tilespmem:s11+$0xFFFFFFB0]  }
0x75: {  	v6 =	vld [tilespmem:s7+$0xFFFFFFB0]  }
0x76: {  	v7 =	vld [tilespmem:s11+$0xFFFFFFC0]  }
0x77: {  	v8 =	vld [tilespmem:s7+$0xFFFFFFC0]  }
0x78: {  	v9 =	vld [tilespmem:s11+$0xFFFFFFD0]  }
0x79: {  	v10 =	vld [tilespmem:s7+$0xFFFFFFD0];
	v2 =	vadd.f32 v2, v1  }
0x7a: {  	v4 =	vadd.f32 v4, v3;
	v1 =	vld [tilespmem:s11+$0xFFFFFFE0]  }
0x7b: {  	v5 =	vadd.f32 v6, v5;
	v3 =	vld [tilespmem:s7+$0xFFFFFFE0];
	[tilespmem:s11+$0x0] =	vst v2  }
0x7c: {  	v6 =	vadd.f32 v8, v7;
	[tilespmem:s11+$0xFFFFFFA0] =	vst v4;
	v2 =	vld [tilespmem:s11+$0xFFFFFFF0]  }
0x7d: {  	[tilespmem:s11+$0xFFFFFFB0] =	vst v5;
	v5 =	vld [tilespmem:s7+$0xFFFFFFF0]  }
0x7e: {  	s6 =	simm.s32 $0x0;
	s16 =	sadd.s32 $0x400, s11;
	v4 =	vld [tilespmem:s11+$0xFFFFFF90];
	[tilespmem:s11+$0xFFFFFFC0] =	vst v6;
	v6 =	vadd.f32 v10, v9  }
.LBB2_5:
0x7f: {  	v7 =	vld [tilespmem:s16+$0x0];
	s7 =	sadd.s32 $0x400, s7  }
0x80: {  	s6 =	sadd.s32 $0x80, s6;
	v8 =	vld [tilespmem:s7+$0x0];
	[tilespmem:s11+$0xFFFFFFD0] =	vst v6;
	v1 =	vadd.f32 v3, v1  }
0x81: {  	p0 =	slt.u32 s6, $0x780;
	v3 =	vld [tilespmem:s7+$0xFFFFFF90]  }
0x82: {  	v6 =	vld [tilespmem:s16+$0xFFFFFFA0];
	[tilespmem:s11+$0xFFFFFFE0] =	vst v1;
	v1 =	vadd.f32 v5, v2  }
0x83: {  	v2 =	vld [tilespmem:s7+$0xFFFFFFA0];
	v9 =	vadd.f32 v0, v4  }
0x84: {  	v4 =	vld [tilespmem:s16+$0xFFFFFFB0];
	[tilespmem:s11+$0xFFFFFFF0] =	vst v1  }
0x85: {  	v1 =	vld [tilespmem:s7+$0xFFFFFFB0];
	v5 =	vadd.f32 v8, v7;
	[tilespmem:s11+$0xFFFFFF90] =	vst v9;
	s11 =	smov.u32 s16  }
0x86: {  	v7 =	vld [tilespmem:s16+$0xFFFFFFC0];
	v0 =	vmov v3  }
0x87: {  	v8 =	vld [tilespmem:s7+$0xFFFFFFC0];
	[tilespmem:s16+$0x0] =	vst v5  }
0x88: {  	v2 =	vadd.f32 v2, v6;
	v6 =	vld [tilespmem:s16+$0xFFFFFFD0]  }
0x89: {  	v9 =	vld [tilespmem:s7+$0xFFFFFFD0]  }
.Ltmp1:
0x8a: {  	[tilespmem:s16+$0xFFFFFFA0] =	vst v2;
	v2 =	vadd.f32 v1, v4;
	v1 =	vld [tilespmem:s16+$0xFFFFFFE0];
	(pc) =	sbr.rel @p0 .LBB2_5-.Ltmp1, $4  }
0x8b: {  	v3 =	vld [tilespmem:s7+$0xFFFFFFE0]  }
0x8c: {  	[tilespmem:s16+$0xFFFFFFB0] =	vst v2;
	v7 =	vadd.f32 v8, v7;
	v2 =	vld [tilespmem:s16+$0xFFFFFFF0]  }
0x8d: {  	v5 =	vld [tilespmem:s7+$0xFFFFFFF0]  }
0x8e: {  	s16 =	sadd.s32 $0x400, s16;
	v4 =	vld [tilespmem:s11+$0xFFFFFF90];
	[tilespmem:s11+$0xFFFFFFC0] =	vst v7;
	v6 =	vadd.f32 v9, v6  }
0x8f: {  	_ =	sdelay $0x1  }
0x90: {  	v1 =	vadd.f32 v3, v1  }
0x91: {  	[tilespmem:s11+$0xFFFFFFD0] =	vst v6;
	v2 =	vadd.f32 v5, v2  }
0x92: {  	[tilespmem:s11+$0xFFFFFFE0] =	vst v1;
	v0 =	vadd.f32 v0, v4  }
0x93: {  	[tilespmem:s11+$0xFFFFFFF0] =	vst v2  }
0x94: {  	s6 =	sadd.s32 $0x10, s28;
	s7 =	sadd.s32 $0x80, s23;
	[tilespmem:s11+$0xFFFFFF90] =	vst v0  }
0x95: {  	[hbm4b:s6+s4] =	stream.linear.scatter [tilespmem:s7], [sflag:s26], $0x80, $0x38;
	[tilespmem:$0x18000] =	vst v63  }
0x96: {  	s17 =	sadd.s32 $0x480, s23;
	s18 =	sadd.s32 $0x90, s28  }
0x97: {  	[hbm4b:s18+s4] =	stream.linear.scatter [tilespmem:s17], [sflag:s26], $0x80, $0x38;
	[tilespmem:$0x18000] =	vst v63  }
0x98: {  	s16 =	sadd.s32 $0x110, s28;
	s11 =	sadd.s32 $0x880, s23  }
0x99: {  	[hbm4b:s16+s4] =	stream.linear.scatter [tilespmem:s11], [sflag:s26], $0x80, $0x38;
	[tilespmem:$0x18000] =	vst v63  }
0x9a: {  	s17 =	sadd.s32 $0xC80, s23;
	s18 =	sadd.s32 $0x190, s28  }
0x9b: {  	[hbm4b:s18+s4] =	stream.linear.scatter [tilespmem:s17], [sflag:s26], $0x80, $0x38;
	[tilespmem:$0x18000] =	vst v63  }
0x9c: {  	s11 =	sadd.s32 $0x1080, s23;
	s16 =	sadd.s32 $0x210, s28  }
0x9d: {  	[hbm4b:s16+s4] =	stream.linear.scatter [tilespmem:s11], [sflag:s26], $0x80, $0x38;
	[tilespmem:$0x18000] =	vst v63  }
0x9e: {  	s17 =	sadd.s32 $0x1480, s23;
	s18 =	sadd.s32 $0x290, s28  }
0x9f: {  	[hbm4b:s18+s4] =	stream.linear.scatter [tilespmem:s17], [sflag:s26], $0x80, $0x38;
	[tilespmem:$0x18000] =	vst v63  }
0xa0: {  	s11 =	sadd.s32 $0x1880, s23;
	s16 =	sadd.s32 $0x310, s28  }
0xa1: {  	[hbm4b:s16+s4] =	stream.linear.scatter [tilespmem:s11], [sflag:s26], $0x80, $0x38;
	[tilespmem:$0x18000] =	vst v63  }
0xa2: {  	s17 =	sadd.s32 $0x1C80, s23;
	s18 =	sadd.s32 $0x390, s28  }
0xa3: {  	[hbm4b:s18+s4] =	stream.linear.scatter [tilespmem:s17], [sflag:s26], $0x80, $0x38;
	[tilespmem:$0x18000] =	vst v63  }
0xa4: {  	s11 =	sadd.s32 $0x2080, s23;
	s16 =	sadd.s32 $0x410, s28  }
0xa5: {  	[hbm4b:s16+s4] =	stream.linear.scatter [tilespmem:s11], [sflag:s26], $0x80, $0x38;
	[tilespmem:$0x18000] =	vst v63  }
0xa6: {  	s17 =	sadd.s32 $0x2480, s23;
	s18 =	sadd.s32 $0x490, s28  }
0xa7: {  	[hbm4b:s18+s4] =	stream.linear.scatter [tilespmem:s17], [sflag:s26], $0x80, $0x38;
	[tilespmem:$0x18000] =	vst v63  }
0xa8: {  	s11 =	sadd.s32 $0x2880, s23;
	s16 =	sadd.s32 $0x510, s28  }
0xa9: {  	[hbm4b:s16+s4] =	stream.linear.scatter [tilespmem:s11], [sflag:s26], $0x80, $0x38;
	[tilespmem:$0x18000] =	vst v63  }
0xaa: {  	s17 =	sadd.s32 $0x2C80, s23;
	s18 =	sadd.s32 $0x590, s28  }
0xab: {  	[hbm4b:s18+s4] =	stream.linear.scatter [tilespmem:s17], [sflag:s26], $0x80, $0x38;
	[tilespmem:$0x18000] =	vst v63  }
0xac: {  	s11 =	sadd.s32 $0x3080, s23;
	s16 =	sadd.s32 $0x610, s28  }
0xad: {  	[hbm4b:s16+s4] =	stream.linear.scatter [tilespmem:s11], [sflag:s26], $0x80, $0x38;
	[tilespmem:$0x18000] =	vst v63  }
0xae: {  	s17 =	sadd.s32 $0x3480, s23;
	s18 =	sadd.s32 $0x690, s28  }
0xaf: {  	[hbm4b:s18+s4] =	stream.linear.scatter [tilespmem:s17], [sflag:s26], $0x80, $0x38;
	[tilespmem:$0x18000] =	vst v63  }
0xb0: {  	s11 =	sadd.s32 $0x3880, s23;
	s16 =	sadd.s32 $0x710, s28  }
0xb1: {  	[hbm4b:s16+s4] =	stream.linear.scatter [tilespmem:s11], [sflag:s26], $0x80, $0x38;
	[tilespmem:$0x18000] =	vst v63  }
0xb2: {  	s17 =	sadd.s32 $0x3C80, s23;
	s18 =	sadd.s32 $0x790, s28  }
0xb3: {  	[hbm4b:s18+s4] =	stream.linear.scatter [tilespmem:s17], [sflag:s26], $0x80, $0x38;
	[tilespmem:$0x18000] =	vst v63  }
0xb4: {  	v1 =	vld [tilespmem:s8+$0x0]  }
0xb5: {  	v2 =	vld [tilespmem:s9+$0x0]  }
0xb6: {  	v0 =	vld [tilespmem:s9+$0xFFFFFF90]  }
0xb7: {  	v3 =	vld [tilespmem:s8+$0xFFFFFFA0]  }
0xb8: {  	v4 =	vld [tilespmem:s9+$0xFFFFFFA0]  }
0xb9: {  	v5 =	vld [tilespmem:s8+$0xFFFFFFB0]  }
0xba: {  	v6 =	vld [tilespmem:s9+$0xFFFFFFB0]  }
0xbb: {  	v7 =	vld [tilespmem:s8+$0xFFFFFFC0]  }
0xbc: {  	v8 =	vld [tilespmem:s9+$0xFFFFFFC0]  }
0xbd: {  	v9 =	vld [tilespmem:s8+$0xFFFFFFD0]  }
0xbe: {  	v10 =	vld [tilespmem:s9+$0xFFFFFFD0];
	v2 =	vadd.f32 v2, v1  }
0xbf: {  	v4 =	vadd.f32 v4, v3;
	v1 =	vld [tilespmem:s8+$0xFFFFFFE0]  }
0xc0: {  	v5 =	vadd.f32 v6, v5;
	v3 =	vld [tilespmem:s9+$0xFFFFFFE0];
	[tilespmem:s8+$0x0] =	vst v2  }
0xc1: {  	v6 =	vadd.f32 v8, v7;
	[tilespmem:s8+$0xFFFFFFA0] =	vst v4;
	v2 =	vld [tilespmem:s8+$0xFFFFFFF0]  }
0xc2: {  	[tilespmem:s8+$0xFFFFFFB0] =	vst v5;
	v5 =	vld [tilespmem:s9+$0xFFFFFFF0]  }
0xc3: {  	s6 =	simm.s32 $0x0;
	s7 =	sadd.s32 $0x400, s8;
	v4 =	vld [tilespmem:s8+$0xFFFFFF90];
	[tilespmem:s8+$0xFFFFFFC0] =	vst v6;
	v6 =	vadd.f32 v10, v9  }
.LBB2_7:
0xc4: {  	v7 =	vld [tilespmem:s7+$0x0];
	s9 =	sadd.s32 $0x400, s9  }
0xc5: {  	s6 =	sadd.s32 $0x80, s6;
	v8 =	vld [tilespmem:s9+$0x0];
	[tilespmem:s8+$0xFFFFFFD0] =	vst v6;
	v1 =	vadd.f32 v3, v1  }
0xc6: {  	p0 =	slt.u32 s6, $0x780;
	v3 =	vld [tilespmem:s9+$0xFFFFFF90]  }
0xc7: {  	v6 =	vld [tilespmem:s7+$0xFFFFFFA0];
	[tilespmem:s8+$0xFFFFFFE0] =	vst v1;
	v1 =	vadd.f32 v5, v2  }
0xc8: {  	v2 =	vld [tilespmem:s9+$0xFFFFFFA0];
	v9 =	vadd.f32 v0, v4  }
0xc9: {  	v4 =	vld [tilespmem:s7+$0xFFFFFFB0];
	[tilespmem:s8+$0xFFFFFFF0] =	vst v1  }
0xca: {  	v1 =	vld [tilespmem:s9+$0xFFFFFFB0];
	v5 =	vadd.f32 v8, v7;
	[tilespmem:s8+$0xFFFFFF90] =	vst v9;
	s8 =	smov.u32 s7  }
0xcb: {  	v7 =	vld [tilespmem:s7+$0xFFFFFFC0];
	v0 =	vmov v3  }
0xcc: {  	v8 =	vld [tilespmem:s9+$0xFFFFFFC0];
	[tilespmem:s7+$0x0] =	vst v5  }
0xcd: {  	v2 =	vadd.f32 v2, v6;
	v6 =	vld [tilespmem:s7+$0xFFFFFFD0]  }
0xce: {  	v9 =	vld [tilespmem:s9+$0xFFFFFFD0]  }
.Ltmp2:
0xcf: {  	[tilespmem:s7+$0xFFFFFFA0] =	vst v2;
	v2 =	vadd.f32 v1, v4;
	v1 =	vld [tilespmem:s7+$0xFFFFFFE0];
	(pc) =	sbr.rel @p0 .LBB2_7-.Ltmp2, $4  }
0xd0: {  	v3 =	vld [tilespmem:s9+$0xFFFFFFE0]  }
0xd1: {  	[tilespmem:s7+$0xFFFFFFB0] =	vst v2;
	v7 =	vadd.f32 v8, v7;
	v2 =	vld [tilespmem:s7+$0xFFFFFFF0]  }
0xd2: {  	v5 =	vld [tilespmem:s9+$0xFFFFFFF0]  }
0xd3: {  	s7 =	sadd.s32 $0x400, s7;
	v4 =	vld [tilespmem:s8+$0xFFFFFF90];
	[tilespmem:s8+$0xFFFFFFC0] =	vst v7;
	v6 =	vadd.f32 v9, v6  }
0xd4: {  	_ =	sdelay $0x1  }
0xd5: {  	v1 =	vadd.f32 v3, v1  }
0xd6: {  	[tilespmem:s8+$0xFFFFFFD0] =	vst v6;
	v2 =	vadd.f32 v5, v2  }
0xd7: {  	[tilespmem:s8+$0xFFFFFFE0] =	vst v1;
	v0 =	vadd.f32 v0, v4  }
0xd8: {  	[tilespmem:s8+$0xFFFFFFF0] =	vst v2  }
0xd9: {  	s6 =	sadd.s32 $0x20, s28;
	s7 =	sadd.s32 $0x100, s23;
	[tilespmem:s8+$0xFFFFFF90] =	vst v0  }
0xda: {  	[hbm4b:s6+s4] =	stream.linear.scatter [tilespmem:s7], [sflag:s26], $0x80, $0x38;
	[tilespmem:$0x18000] =	vst v63  }
0xdb: {  	s9 =	sadd.s32 $0xA0, s28;
	s8 =	sadd.s32 $0x500, s23  }
0xdc: {  	[hbm4b:s9+s4] =	stream.linear.scatter [tilespmem:s8], [sflag:s26], $0x80, $0x38;
	[tilespmem:$0x18000] =	vst v63  }
0xdd: {  	s11 =	sadd.s32 $0x900, s23;
	s16 =	sadd.s32 $0x120, s28  }
0xde: {  	[hbm4b:s16+s4] =	stream.linear.scatter [tilespmem:s11], [sflag:s26], $0x80, $0x38;
	[tilespmem:$0x18000] =	vst v63  }
0xdf: {  	s17 =	sadd.s32 $0xD00, s23;
	s18 =	sadd.s32 $0x1A0, s28  }
0xe0: {  	[hbm4b:s18+s4] =	stream.linear.scatter [tilespmem:s17], [sflag:s26], $0x80, $0x38;
	[tilespmem:$0x18000] =	vst v63  }
0xe1: {  	s8 =	sadd.s32 $0x1100, s23;
	s9 =	sadd.s32 $0x220, s28  }
0xe2: {  	[hbm4b:s9+s4] =	stream.linear.scatter [tilespmem:s8], [sflag:s26], $0x80, $0x38;
	[tilespmem:$0x18000] =	vst v63  }
0xe3: {  	s11 =	sadd.s32 $0x1500, s23;
	s16 =	sadd.s32 $0x2A0, s28  }
0xe4: {  	[hbm4b:s16+s4] =	stream.linear.scatter [tilespmem:s11], [sflag:s26], $0x80, $0x38;
	[tilespmem:$0x18000] =	vst v63  }
0xe5: {  	s17 =	sadd.s32 $0x1900, s23;
	s18 =	sadd.s32 $0x320, s28  }
0xe6: {  	[hbm4b:s18+s4] =	stream.linear.scatter [tilespmem:s17], [sflag:s26], $0x80, $0x38;
	[tilespmem:$0x18000] =	vst v63  }
0xe7: {  	s8 =	sadd.s32 $0x1D00, s23;
	s9 =	sadd.s32 $0x3A0, s28  }
0xe8: {  	[hbm4b:s9+s4] =	stream.linear.scatter [tilespmem:s8], [sflag:s26], $0x80, $0x38;
	[tilespmem:$0x18000] =	vst v63  }
0xe9: {  	s11 =	sadd.s32 $0x2100, s23;
	s16 =	sadd.s32 $0x420, s28  }
0xea: {  	[hbm4b:s16+s4] =	stream.linear.scatter [tilespmem:s11], [sflag:s26], $0x80, $0x38;
	[tilespmem:$0x18000] =	vst v63  }
0xeb: {  	s17 =	sadd.s32 $0x2500, s23;
	s18 =	sadd.s32 $0x4A0, s28  }
0xec: {  	[hbm4b:s18+s4] =	stream.linear.scatter [tilespmem:s17], [sflag:s26], $0x80, $0x38;
	[tilespmem:$0x18000] =	vst v63  }
0xed: {  	s8 =	sadd.s32 $0x2900, s23;
	s9 =	sadd.s32 $0x520, s28  }
0xee: {  	[hbm4b:s9+s4] =	stream.linear.scatter [tilespmem:s8], [sflag:s26], $0x80, $0x38;
	[tilespmem:$0x18000] =	vst v63  }
0xef: {  	s11 =	sadd.s32 $0x2D00, s23;
	s16 =	sadd.s32 $0x5A0, s28  }
0xf0: {  	[hbm4b:s16+s4] =	stream.linear.scatter [tilespmem:s11], [sflag:s26], $0x80, $0x38;
	[tilespmem:$0x18000] =	vst v63  }
0xf1: {  	s17 =	sadd.s32 $0x3100, s23;
	s18 =	sadd.s32 $0x620, s28  }
0xf2: {  	[hbm4b:s18+s4] =	stream.linear.scatter [tilespmem:s17], [sflag:s26], $0x80, $0x38;
	[tilespmem:$0x18000] =	vst v63  }
0xf3: {  	s8 =	sadd.s32 $0x3500, s23;
	s9 =	sadd.s32 $0x6A0, s28  }
0xf4: {  	[hbm4b:s9+s4] =	stream.linear.scatter [tilespmem:s8], [sflag:s26], $0x80, $0x38;
	[tilespmem:$0x18000] =	vst v63  }
0xf5: {  	s11 =	sadd.s32 $0x3900, s23;
	s16 =	sadd.s32 $0x720, s28  }
0xf6: {  	[hbm4b:s16+s4] =	stream.linear.scatter [tilespmem:s11], [sflag:s26], $0x80, $0x38;
	[tilespmem:$0x18000] =	vst v63  }
0xf7: {  	s17 =	sadd.s32 $0x3D00, s23;
	s18 =	sadd.s32 $0x7A0, s28  }
0xf8: {  	[hbm4b:s18+s4] =	stream.linear.scatter [tilespmem:s17], [sflag:s26], $0x80, $0x38;
	[tilespmem:$0x18000] =	vst v63  }
0xf9: {  	v1 =	vld [tilespmem:s14+$0x0]  }
0xfa: {  	v2 =	vld [tilespmem:s15+$0x0]  }
0xfb: {  	v0 =	vld [tilespmem:s15+$0xFFFFFF90]  }
0xfc: {  	v3 =	vld [tilespmem:s14+$0xFFFFFFA0]  }
0xfd: {  	v4 =	vld [tilespmem:s15+$0xFFFFFFA0]  }
0xfe: {  	v5 =	vld [tilespmem:s14+$0xFFFFFFB0]  }
0xff: {  	v6 =	vld [tilespmem:s15+$0xFFFFFFB0]  }
0x100: {  	v7 =	vld [tilespmem:s14+$0xFFFFFFC0]  }
0x101: {  	v8 =	vld [tilespmem:s15+$0xFFFFFFC0]  }
0x102: {  	v9 =	vld [tilespmem:s14+$0xFFFFFFD0]  }
0x103: {  	v10 =	vld [tilespmem:s15+$0xFFFFFFD0];
	v2 =	vadd.f32 v2, v1  }
0x104: {  	v4 =	vadd.f32 v4, v3;
	v1 =	vld [tilespmem:s14+$0xFFFFFFE0]  }
0x105: {  	v5 =	vadd.f32 v6, v5;
	v3 =	vld [tilespmem:s15+$0xFFFFFFE0];
	[tilespmem:s14+$0x0] =	vst v2  }
0x106: {  	v6 =	vadd.f32 v8, v7;
	[tilespmem:s14+$0xFFFFFFA0] =	vst v4;
	v2 =	vld [tilespmem:s14+$0xFFFFFFF0]  }
0x107: {  	[tilespmem:s14+$0xFFFFFFB0] =	vst v5;
	v5 =	vld [tilespmem:s15+$0xFFFFFFF0]  }
0x108: {  	s6 =	simm.s32 $0x0;
	s7 =	sadd.s32 $0x400, s14;
	v4 =	vld [tilespmem:s14+$0xFFFFFF90];
	[tilespmem:s14+$0xFFFFFFC0] =	vst v6;
	v6 =	vadd.f32 v10, v9  }
.LBB2_9:
0x109: {  	v7 =	vld [tilespmem:s7+$0x0];
	s15 =	sadd.s32 $0x400, s15  }
0x10a: {  	s6 =	sadd.s32 $0x80, s6;
	v8 =	vld [tilespmem:s15+$0x0];
	[tilespmem:s14+$0xFFFFFFD0] =	vst v6;
	v1 =	vadd.f32 v3, v1  }
0x10b: {  	p0 =	slt.u32 s6, $0x780;
	v3 =	vld [tilespmem:s15+$0xFFFFFF90]  }
0x10c: {  	v6 =	vld [tilespmem:s7+$0xFFFFFFA0];
	[tilespmem:s14+$0xFFFFFFE0] =	vst v1;
	v1 =	vadd.f32 v5, v2  }
0x10d: {  	v2 =	vld [tilespmem:s15+$0xFFFFFFA0];
	v9 =	vadd.f32 v0, v4  }
0x10e: {  	v4 =	vld [tilespmem:s7+$0xFFFFFFB0];
	[tilespmem:s14+$0xFFFFFFF0] =	vst v1  }
0x10f: {  	v1 =	vld [tilespmem:s15+$0xFFFFFFB0];
	v5 =	vadd.f32 v8, v7;
	[tilespmem:s14+$0xFFFFFF90] =	vst v9;
	s14 =	smov.u32 s7  }
0x110: {  	v7 =	vld [tilespmem:s7+$0xFFFFFFC0];
	v0 =	vmov v3  }
0x111: {  	v8 =	vld [tilespmem:s15+$0xFFFFFFC0];
	[tilespmem:s7+$0x0] =	vst v5  }
0x112: {  	v2 =	vadd.f32 v2, v6;
	v6 =	vld [tilespmem:s7+$0xFFFFFFD0]  }
0x113: {  	v9 =	vld [tilespmem:s15+$0xFFFFFFD0]  }
.Ltmp3:
0x114: {  	[tilespmem:s7+$0xFFFFFFA0] =	vst v2;
	v2 =	vadd.f32 v1, v4;
	v1 =	vld [tilespmem:s7+$0xFFFFFFE0];
	(pc) =	sbr.rel @p0 .LBB2_9-.Ltmp3, $4  }
0x115: {  	v3 =	vld [tilespmem:s15+$0xFFFFFFE0]  }
0x116: {  	[tilespmem:s7+$0xFFFFFFB0] =	vst v2;
	v7 =	vadd.f32 v8, v7;
	v2 =	vld [tilespmem:s7+$0xFFFFFFF0]  }
0x117: {  	v5 =	vld [tilespmem:s15+$0xFFFFFFF0]  }
0x118: {  	s7 =	sadd.s32 $0x400, s7;
	v4 =	vld [tilespmem:s14+$0xFFFFFF90];
	[tilespmem:s14+$0xFFFFFFC0] =	vst v7;
	v6 =	vadd.f32 v9, v6  }
0x119: {  	_ =	sdelay $0x1  }
0x11a: {  	v1 =	vadd.f32 v3, v1  }
0x11b: {  	[tilespmem:s14+$0xFFFFFFD0] =	vst v6;
	v2 =	vadd.f32 v5, v2  }
0x11c: {  	[tilespmem:s14+$0xFFFFFFE0] =	vst v1;
	v0 =	vadd.f32 v0, v4  }
0x11d: {  	[tilespmem:s14+$0xFFFFFFF0] =	vst v2  }
0x11e: {  	s6 =	sadd.s32 $0x30, s28;
	s7 =	sadd.s32 $0x180, s23;
	[tilespmem:s14+$0xFFFFFF90] =	vst v0  }
0x11f: {  	[hbm4b:s6+s4] =	stream.linear.scatter [tilespmem:s7], [sflag:s26], $0x80, $0x38;
	[tilespmem:$0x18000] =	vst v63  }
0x120: {  	s11 =	sadd.s32 $0x580, s23;
	s14 =	sadd.s32 $0xB0, s28  }
0x121: {  	[hbm4b:s14+s4] =	stream.linear.scatter [tilespmem:s11], [sflag:s26], $0x80, $0x38;
	[tilespmem:$0x18000] =	vst v63  }
0x122: {  	s15 =	sadd.s32 $0x980, s23;
	s16 =	sadd.s32 $0x130, s28  }
0x123: {  	[hbm4b:s16+s4] =	stream.linear.scatter [tilespmem:s15], [sflag:s26], $0x80, $0x38;
	[tilespmem:$0x18000] =	vst v63  }
0x124: {  	s17 =	sadd.s32 $0xD80, s23;
	s18 =	sadd.s32 $0x1B0, s28  }
0x125: {  	[hbm4b:s18+s4] =	stream.linear.scatter [tilespmem:s17], [sflag:s26], $0x80, $0x38;
	[tilespmem:$0x18000] =	vst v63  }
0x126: {  	s8 =	sadd.s32 $0x1180, s23;
	s9 =	sadd.s32 $0x230, s28  }
0x127: {  	[hbm4b:s9+s4] =	stream.linear.scatter [tilespmem:s8], [sflag:s26], $0x80, $0x38;
	[tilespmem:$0x18000] =	vst v63  }
0x128: {  	s11 =	sadd.s32 $0x1580, s23;
	s14 =	sadd.s32 $0x2B0, s28  }
0x129: {  	[hbm4b:s14+s4] =	stream.linear.scatter [tilespmem:s11], [sflag:s26], $0x80, $0x38;
	[tilespmem:$0x18000] =	vst v63  }
0x12a: {  	s15 =	sadd.s32 $0x1980, s23;
	s16 =	sadd.s32 $0x330, s28  }
0x12b: {  	[hbm4b:s16+s4] =	stream.linear.scatter [tilespmem:s15], [sflag:s26], $0x80, $0x38;
	[tilespmem:$0x18000] =	vst v63  }
0x12c: {  	s17 =	sadd.s32 $0x1D80, s23;
	s18 =	sadd.s32 $0x3B0, s28  }
0x12d: {  	[hbm4b:s18+s4] =	stream.linear.scatter [tilespmem:s17], [sflag:s26], $0x80, $0x38;
	[tilespmem:$0x18000] =	vst v63  }
0x12e: {  	s8 =	sadd.s32 $0x2180, s23;
	s9 =	sadd.s32 $0x430, s28  }
0x12f: {  	[hbm4b:s9+s4] =	stream.linear.scatter [tilespmem:s8], [sflag:s26], $0x80, $0x38;
	[tilespmem:$0x18000] =	vst v63  }
0x130: {  	s11 =	sadd.s32 $0x2580, s23;
	s14 =	sadd.s32 $0x4B0, s28  }
0x131: {  	[hbm4b:s14+s4] =	stream.linear.scatter [tilespmem:s11], [sflag:s26], $0x80, $0x38;
	[tilespmem:$0x18000] =	vst v63  }
0x132: {  	s15 =	sadd.s32 $0x2980, s23;
	s16 =	sadd.s32 $0x530, s28  }
0x133: {  	[hbm4b:s16+s4] =	stream.linear.scatter [tilespmem:s15], [sflag:s26], $0x80, $0x38;
	[tilespmem:$0x18000] =	vst v63  }
0x134: {  	s17 =	sadd.s32 $0x2D80, s23;
	s18 =	sadd.s32 $0x5B0, s28  }
0x135: {  	[hbm4b:s18+s4] =	stream.linear.scatter [tilespmem:s17], [sflag:s26], $0x80, $0x38;
	[tilespmem:$0x18000] =	vst v63  }
0x136: {  	s8 =	sadd.s32 $0x3180, s23;
	s9 =	sadd.s32 $0x630, s28  }
0x137: {  	[hbm4b:s9+s4] =	stream.linear.scatter [tilespmem:s8], [sflag:s26], $0x80, $0x38;
	[tilespmem:$0x18000] =	vst v63  }
0x138: {  	s11 =	sadd.s32 $0x3580, s23;
	s14 =	sadd.s32 $0x6B0, s28  }
0x139: {  	[hbm4b:s14+s4] =	stream.linear.scatter [tilespmem:s11], [sflag:s26], $0x80, $0x38;
	[tilespmem:$0x18000] =	vst v63  }
0x13a: {  	s15 =	sadd.s32 $0x3980, s23;
	s16 =	sadd.s32 $0x730, s28  }
0x13b: {  	[hbm4b:s16+s4] =	stream.linear.scatter [tilespmem:s15], [sflag:s26], $0x80, $0x38;
	[tilespmem:$0x18000] =	vst v63  }
0x13c: {  	s17 =	sadd.s32 $0x3D80, s23;
	s18 =	sadd.s32 $0x7B0, s28  }
0x13d: {  	[hbm4b:s18+s4] =	stream.linear.scatter [tilespmem:s17], [sflag:s26], $0x80, $0x38;
	[tilespmem:$0x18000] =	vst v63  }
0x13e: {  	v1 =	vld [tilespmem:s0+$0x0]  }
0x13f: {  	v2 =	vld [tilespmem:s13+$0x0]  }
0x140: {  	v0 =	vld [tilespmem:s13+$0xFFFFFF90]  }
0x141: {  	v3 =	vld [tilespmem:s0+$0xFFFFFFA0]  }
0x142: {  	v4 =	vld [tilespmem:s13+$0xFFFFFFA0]  }
0x143: {  	v5 =	vld [tilespmem:s0+$0xFFFFFFB0]  }
0x144: {  	v6 =	vld [tilespmem:s13+$0xFFFFFFB0]  }
0x145: {  	v7 =	vld [tilespmem:s0+$0xFFFFFFC0]  }
0x146: {  	v8 =	vld [tilespmem:s13+$0xFFFFFFC0]  }
0x147: {  	v9 =	vld [tilespmem:s0+$0xFFFFFFD0]  }
0x148: {  	v10 =	vld [tilespmem:s13+$0xFFFFFFD0];
	v2 =	vadd.f32 v2, v1  }
0x149: {  	v4 =	vadd.f32 v4, v3;
	v1 =	vld [tilespmem:s0+$0xFFFFFFE0]  }
0x14a: {  	v5 =	vadd.f32 v6, v5;
	v3 =	vld [tilespmem:s13+$0xFFFFFFE0];
	[tilespmem:s0+$0x0] =	vst v2  }
0x14b: {  	v6 =	vadd.f32 v8, v7;
	[tilespmem:s0+$0xFFFFFFA0] =	vst v4;
	v2 =	vld [tilespmem:s0+$0xFFFFFFF0]  }
0x14c: {  	[tilespmem:s0+$0xFFFFFFB0] =	vst v5;
	v5 =	vld [tilespmem:s13+$0xFFFFFFF0]  }
0x14d: {  	s6 =	simm.s32 $0x0;
	s7 =	sadd.s32 $0x400, s0;
	v4 =	vld [tilespmem:s0+$0xFFFFFF90];
	[tilespmem:s0+$0xFFFFFFC0] =	vst v6;
	v6 =	vadd.f32 v10, v9  }
.LBB2_11:
0x14e: {  	v7 =	vld [tilespmem:s7+$0x0];
	s13 =	sadd.s32 $0x400, s13  }
0x14f: {  	s6 =	sadd.s32 $0x80, s6;
	v8 =	vld [tilespmem:s13+$0x0];
	[tilespmem:s0+$0xFFFFFFD0] =	vst v6;
	v1 =	vadd.f32 v3, v1  }
0x150: {  	p0 =	slt.u32 s6, $0x780;
	v3 =	vld [tilespmem:s13+$0xFFFFFF90]  }
0x151: {  	v6 =	vld [tilespmem:s7+$0xFFFFFFA0];
	[tilespmem:s0+$0xFFFFFFE0] =	vst v1;
	v1 =	vadd.f32 v5, v2  }
0x152: {  	v2 =	vld [tilespmem:s13+$0xFFFFFFA0];
	v9 =	vadd.f32 v0, v4  }
0x153: {  	v4 =	vld [tilespmem:s7+$0xFFFFFFB0];
	[tilespmem:s0+$0xFFFFFFF0] =	vst v1  }
0x154: {  	v1 =	vld [tilespmem:s13+$0xFFFFFFB0];
	v5 =	vadd.f32 v8, v7;
	[tilespmem:s0+$0xFFFFFF90] =	vst v9;
	s0 =	smov.u32 s7  }
0x155: {  	v7 =	vld [tilespmem:s7+$0xFFFFFFC0];
	v0 =	vmov v3  }
0x156: {  	v8 =	vld [tilespmem:s13+$0xFFFFFFC0];
	[tilespmem:s7+$0x0] =	vst v5  }
0x157: {  	v2 =	vadd.f32 v2, v6;
	v6 =	vld [tilespmem:s7+$0xFFFFFFD0]  }
0x158: {  	v9 =	vld [tilespmem:s13+$0xFFFFFFD0]  }
.Ltmp4:
0x159: {  	[tilespmem:s7+$0xFFFFFFA0] =	vst v2;
	v2 =	vadd.f32 v1, v4;
	v1 =	vld [tilespmem:s7+$0xFFFFFFE0];
	(pc) =	sbr.rel @p0 .LBB2_11-.Ltmp4, $4  }
0x15a: {  	v3 =	vld [tilespmem:s13+$0xFFFFFFE0]  }
0x15b: {  	[tilespmem:s7+$0xFFFFFFB0] =	vst v2;
	v7 =	vadd.f32 v8, v7;
	v2 =	vld [tilespmem:s7+$0xFFFFFFF0]  }
0x15c: {  	v5 =	vld [tilespmem:s13+$0xFFFFFFF0]  }
0x15d: {  	s7 =	sadd.s32 $0x400, s7;
	v4 =	vld [tilespmem:s0+$0xFFFFFF90];
	[tilespmem:s0+$0xFFFFFFC0] =	vst v7;
	v6 =	vadd.f32 v9, v6  }
0x15e: {  	_ =	sdelay $0x1  }
0x15f: {  	v1 =	vadd.f32 v3, v1  }
0x160: {  	[tilespmem:s0+$0xFFFFFFD0] =	vst v6;
	v2 =	vadd.f32 v5, v2  }
0x161: {  	[tilespmem:s0+$0xFFFFFFE0] =	vst v1;
	v0 =	vadd.f32 v0, v4  }
0x162: {  	[tilespmem:s0+$0xFFFFFFF0] =	vst v2  }
0x163: {  	s18 =	sadd.s32 $0x40, s28;
	s6 =	sadd.s32 $0x200, s23;
	[tilespmem:s0+$0xFFFFFF90] =	vst v0  }
0x164: {  	[hbm4b:s18+s4] =	stream.linear.scatter [tilespmem:s6], [sflag:s26], $0x80, $0x38;
	[tilespmem:$0x18000] =	vst v63  }
0x165: {  	s7 =	sadd.s32 $0x600, s23;
	s8 =	sadd.s32 $0xC0, s28  }
0x166: {  	[hbm4b:s8+s4] =	stream.linear.scatter [tilespmem:s7], [sflag:s26], $0x80, $0x38;
	[tilespmem:$0x18000] =	vst v63  }
0x167: {  	s9 =	sadd.s32 $0xA00, s23;
	s11 =	sadd.s32 $0x140, s28  }
0x168: {  	[hbm4b:s11+s4] =	stream.linear.scatter [tilespmem:s9], [sflag:s26], $0x80, $0x38;
	[tilespmem:$0x18000] =	vst v63  }
0x169: {  	s13 =	sadd.s32 $0xE00, s23;
	s14 =	sadd.s32 $0x1C0, s28  }
0x16a: {  	[hbm4b:s14+s4] =	stream.linear.scatter [tilespmem:s13], [sflag:s26], $0x80, $0x38;
	[tilespmem:$0x18000] =	vst v63  }
0x16b: {  	s15 =	sadd.s32 $0x1200, s23;
	s16 =	sadd.s32 $0x240, s28  }
0x16c: {  	[hbm4b:s16+s4] =	stream.linear.scatter [tilespmem:s15], [sflag:s26], $0x80, $0x38;
	[tilespmem:$0x18000] =	vst v63  }
0x16d: {  	s17 =	sadd.s32 $0x1600, s23;
	s18 =	sadd.s32 $0x2C0, s28  }
0x16e: {  	[hbm4b:s18+s4] =	stream.linear.scatter [tilespmem:s17], [sflag:s26], $0x80, $0x38;
	[tilespmem:$0x18000] =	vst v63  }
0x16f: {  	s7 =	sadd.s32 $0x1A00, s23;
	s8 =	sadd.s32 $0x340, s28  }
0x170: {  	[hbm4b:s8+s4] =	stream.linear.scatter [tilespmem:s7], [sflag:s26], $0x80, $0x38;
	[tilespmem:$0x18000] =	vst v63  }
0x171: {  	s9 =	sadd.s32 $0x1E00, s23;
	s11 =	sadd.s32 $0x3C0, s28  }
0x172: {  	[hbm4b:s11+s4] =	stream.linear.scatter [tilespmem:s9], [sflag:s26], $0x80, $0x38;
	[tilespmem:$0x18000] =	vst v63  }
0x173: {  	s13 =	sadd.s32 $0x2200, s23;
	s14 =	sadd.s32 $0x440, s28  }
0x174: {  	[hbm4b:s14+s4] =	stream.linear.scatter [tilespmem:s13], [sflag:s26], $0x80, $0x38;
	[tilespmem:$0x18000] =	vst v63  }
0x175: {  	s15 =	sadd.s32 $0x2600, s23;
	s16 =	sadd.s32 $0x4C0, s28  }
0x176: {  	[hbm4b:s16+s4] =	stream.linear.scatter [tilespmem:s15], [sflag:s26], $0x80, $0x38;
	[tilespmem:$0x18000] =	vst v63  }
0x177: {  	s17 =	sadd.s32 $0x2A00, s23;
	s18 =	sadd.s32 $0x540, s28  }
0x178: {  	[hbm4b:s18+s4] =	stream.linear.scatter [tilespmem:s17], [sflag:s26], $0x80, $0x38;
	[tilespmem:$0x18000] =	vst v63  }
0x179: {  	s7 =	sadd.s32 $0x2E00, s23;
	s8 =	sadd.s32 $0x5C0, s28  }
0x17a: {  	[hbm4b:s8+s4] =	stream.linear.scatter [tilespmem:s7], [sflag:s26], $0x80, $0x38;
	[tilespmem:$0x18000] =	vst v63  }
0x17b: {  	s9 =	sadd.s32 $0x3200, s23;
	s11 =	sadd.s32 $0x640, s28  }
0x17c: {  	[hbm4b:s11+s4] =	stream.linear.scatter [tilespmem:s9], [sflag:s26], $0x80, $0x38;
	[tilespmem:$0x18000] =	vst v63  }
0x17d: {  	s13 =	sadd.s32 $0x3600, s23;
	s14 =	sadd.s32 $0x6C0, s28  }
0x17e: {  	[hbm4b:s14+s4] =	stream.linear.scatter [tilespmem:s13], [sflag:s26], $0x80, $0x38;
	[tilespmem:$0x18000] =	vst v63  }
0x17f: {  	s15 =	sadd.s32 $0x3A00, s23;
	s16 =	sadd.s32 $0x740, s28  }
0x180: {  	[hbm4b:s16+s4] =	stream.linear.scatter [tilespmem:s15], [sflag:s26], $0x80, $0x38;
	[tilespmem:$0x18000] =	vst v63  }
0x181: {  	s17 =	sadd.s32 $0x3E00, s23;
	s18 =	sadd.s32 $0x7C0, s28  }
0x182: {  	[hbm4b:s18+s4] =	stream.linear.scatter [tilespmem:s17], [sflag:s26], $0x80, $0x38;
	[tilespmem:$0x18000] =	vst v63  }
0x183: {  	v1 =	vld [tilespmem:s31+$0x0]  }
0x184: {  	v2 =	vld [tilespmem:s2+$0x0]  }
0x185: {  	v0 =	vld [tilespmem:s2+$0xFFFFFF90]  }
0x186: {  	v3 =	vld [tilespmem:s31+$0xFFFFFFA0]  }
0x187: {  	v4 =	vld [tilespmem:s2+$0xFFFFFFA0]  }
0x188: {  	v5 =	vld [tilespmem:s31+$0xFFFFFFB0]  }
0x189: {  	v6 =	vld [tilespmem:s2+$0xFFFFFFB0]  }
0x18a: {  	v7 =	vld [tilespmem:s31+$0xFFFFFFC0]  }
0x18b: {  	v8 =	vld [tilespmem:s2+$0xFFFFFFC0]  }
0x18c: {  	v9 =	vld [tilespmem:s31+$0xFFFFFFD0]  }
0x18d: {  	v10 =	vld [tilespmem:s2+$0xFFFFFFD0];
	v2 =	vadd.f32 v2, v1  }
0x18e: {  	v4 =	vadd.f32 v4, v3;
	v1 =	vld [tilespmem:s31+$0xFFFFFFE0]  }
0x18f: {  	v5 =	vadd.f32 v6, v5;
	v3 =	vld [tilespmem:s2+$0xFFFFFFE0];
	[tilespmem:s31+$0x0] =	vst v2  }
0x190: {  	v6 =	vadd.f32 v8, v7;
	[tilespmem:s31+$0xFFFFFFA0] =	vst v4;
	v2 =	vld [tilespmem:s31+$0xFFFFFFF0]  }
0x191: {  	[tilespmem:s31+$0xFFFFFFB0] =	vst v5;
	v5 =	vld [tilespmem:s2+$0xFFFFFFF0]  }
0x192: {  	s0 =	simm.s32 $0x0;
	s6 =	sadd.s32 $0x400, s31;
	v4 =	vld [tilespmem:s31+$0xFFFFFF90];
	[tilespmem:s31+$0xFFFFFFC0] =	vst v6;
	v6 =	vadd.f32 v10, v9  }
.LBB2_13:
0x193: {  	v7 =	vld [tilespmem:s6+$0x0];
	s2 =	sadd.s32 $0x400, s2  }
0x194: {  	s0 =	sadd.s32 $0x80, s0;
	v8 =	vld [tilespmem:s2+$0x0];
	[tilespmem:s31+$0xFFFFFFD0] =	vst v6;
	v1 =	vadd.f32 v3, v1  }
0x195: {  	p0 =	slt.u32 s0, $0x780;
	v3 =	vld [tilespmem:s2+$0xFFFFFF90]  }
0x196: {  	v6 =	vld [tilespmem:s6+$0xFFFFFFA0];
	[tilespmem:s31+$0xFFFFFFE0] =	vst v1;
	v1 =	vadd.f32 v5, v2  }
0x197: {  	v2 =	vld [tilespmem:s2+$0xFFFFFFA0];
	v9 =	vadd.f32 v0, v4  }
0x198: {  	v4 =	vld [tilespmem:s6+$0xFFFFFFB0];
	[tilespmem:s31+$0xFFFFFFF0] =	vst v1  }
0x199: {  	v1 =	vld [tilespmem:s2+$0xFFFFFFB0];
	v5 =	vadd.f32 v8, v7;
	[tilespmem:s31+$0xFFFFFF90] =	vst v9;
	s31 =	smov.u32 s6  }
0x19a: {  	v7 =	vld [tilespmem:s6+$0xFFFFFFC0];
	v0 =	vmov v3  }
0x19b: {  	v8 =	vld [tilespmem:s2+$0xFFFFFFC0];
	[tilespmem:s6+$0x0] =	vst v5  }
0x19c: {  	v2 =	vadd.f32 v2, v6;
	v6 =	vld [tilespmem:s6+$0xFFFFFFD0]  }
0x19d: {  	v9 =	vld [tilespmem:s2+$0xFFFFFFD0]  }
.Ltmp5:
0x19e: {  	[tilespmem:s6+$0xFFFFFFA0] =	vst v2;
	v2 =	vadd.f32 v1, v4;
	v1 =	vld [tilespmem:s6+$0xFFFFFFE0];
	(pc) =	sbr.rel @p0 .LBB2_13-.Ltmp5, $4  }
0x19f: {  	v3 =	vld [tilespmem:s2+$0xFFFFFFE0]  }
0x1a0: {  	[tilespmem:s6+$0xFFFFFFB0] =	vst v2;
	v7 =	vadd.f32 v8, v7;
	v2 =	vld [tilespmem:s6+$0xFFFFFFF0]  }
0x1a1: {  	v5 =	vld [tilespmem:s2+$0xFFFFFFF0]  }
0x1a2: {  	s6 =	sadd.s32 $0x400, s6;
	v4 =	vld [tilespmem:s31+$0xFFFFFF90];
	[tilespmem:s31+$0xFFFFFFC0] =	vst v7;
	v6 =	vadd.f32 v9, v6  }
0x1a3: {  	_ =	sdelay $0x1  }
0x1a4: {  	v1 =	vadd.f32 v3, v1  }
0x1a5: {  	[tilespmem:s31+$0xFFFFFFD0] =	vst v6;
	v2 =	vadd.f32 v5, v2  }
0x1a6: {  	[tilespmem:s31+$0xFFFFFFE0] =	vst v1;
	v0 =	vadd.f32 v0, v4  }
0x1a7: {  	[tilespmem:s31+$0xFFFFFFF0] =	vst v2  }
0x1a8: {  	s0 =	sadd.s32 $0x50, s28;
	s2 =	sadd.s32 $0x280, s23;
	[tilespmem:s31+$0xFFFFFF90] =	vst v0  }
0x1a9: {  	[hbm4b:s0+s4] =	stream.linear.scatter [tilespmem:s2], [sflag:s26], $0x80, $0x38;
	[tilespmem:$0x18000] =	vst v63  }
0x1aa: {  	s14 =	sadd.s32 $0x680, s23;
	s15 =	sadd.s32 $0xD0, s28  }
0x1ab: {  	[hbm4b:s15+s4] =	stream.linear.scatter [tilespmem:s14], [sflag:s26], $0x80, $0x38;
	[tilespmem:$0x18000] =	vst v63  }
0x1ac: {  	s16 =	sadd.s32 $0xA80, s23;
	s17 =	sadd.s32 $0x150, s28  }
0x1ad: {  	[hbm4b:s17+s4] =	stream.linear.scatter [tilespmem:s16], [sflag:s26], $0x80, $0x38;
	[tilespmem:$0x18000] =	vst v63  }
0x1ae: {  	s18 =	sadd.s32 $0xE80, s23;
	s31 =	sadd.s32 $0x1D0, s28  }
0x1af: {  	[hbm4b:s31+s4] =	stream.linear.scatter [tilespmem:s18], [sflag:s26], $0x80, $0x38;
	[tilespmem:$0x18000] =	vst v63  }
0x1b0: {  	s6 =	sadd.s32 $0x1280, s23;
	s7 =	sadd.s32 $0x250, s28  }
0x1b1: {  	[hbm4b:s7+s4] =	stream.linear.scatter [tilespmem:s6], [sflag:s26], $0x80, $0x38;
	[tilespmem:$0x18000] =	vst v63  }
0x1b2: {  	s8 =	sadd.s32 $0x1680, s23;
	s9 =	sadd.s32 $0x2D0, s28  }
0x1b3: {  	[hbm4b:s9+s4] =	stream.linear.scatter [tilespmem:s8], [sflag:s26], $0x80, $0x38;
	[tilespmem:$0x18000] =	vst v63  }
0x1b4: {  	s11 =	sadd.s32 $0x1A80, s23;
	s13 =	sadd.s32 $0x350, s28  }
0x1b5: {  	[hbm4b:s13+s4] =	stream.linear.scatter [tilespmem:s11], [sflag:s26], $0x80, $0x38;
	[tilespmem:$0x18000] =	vst v63  }
0x1b6: {  	s14 =	sadd.s32 $0x1E80, s23;
	s15 =	sadd.s32 $0x3D0, s28  }
0x1b7: {  	[hbm4b:s15+s4] =	stream.linear.scatter [tilespmem:s14], [sflag:s26], $0x80, $0x38;
	[tilespmem:$0x18000] =	vst v63  }
0x1b8: {  	s16 =	sadd.s32 $0x2280, s23;
	s17 =	sadd.s32 $0x450, s28  }
0x1b9: {  	[hbm4b:s17+s4] =	stream.linear.scatter [tilespmem:s16], [sflag:s26], $0x80, $0x38;
	[tilespmem:$0x18000] =	vst v63  }
0x1ba: {  	s18 =	sadd.s32 $0x2680, s23;
	s31 =	sadd.s32 $0x4D0, s28  }
0x1bb: {  	[hbm4b:s31+s4] =	stream.linear.scatter [tilespmem:s18], [sflag:s26], $0x80, $0x38;
	[tilespmem:$0x18000] =	vst v63  }
0x1bc: {  	s6 =	sadd.s32 $0x2A80, s23;
	s7 =	sadd.s32 $0x550, s28  }
0x1bd: {  	[hbm4b:s7+s4] =	stream.linear.scatter [tilespmem:s6], [sflag:s26], $0x80, $0x38;
	[tilespmem:$0x18000] =	vst v63  }
0x1be: {  	s8 =	sadd.s32 $0x2E80, s23;
	s9 =	sadd.s32 $0x5D0, s28  }
0x1bf: {  	[hbm4b:s9+s4] =	stream.linear.scatter [tilespmem:s8], [sflag:s26], $0x80, $0x38;
	[tilespmem:$0x18000] =	vst v63  }
0x1c0: {  	s11 =	sadd.s32 $0x3280, s23;
	s13 =	sadd.s32 $0x650, s28  }
0x1c1: {  	[hbm4b:s13+s4] =	stream.linear.scatter [tilespmem:s11], [sflag:s26], $0x80, $0x38;
	[tilespmem:$0x18000] =	vst v63  }
0x1c2: {  	s14 =	sadd.s32 $0x3680, s23;
	s15 =	sadd.s32 $0x6D0, s28  }
0x1c3: {  	[hbm4b:s15+s4] =	stream.linear.scatter [tilespmem:s14], [sflag:s26], $0x80, $0x38;
	[tilespmem:$0x18000] =	vst v63  }
0x1c4: {  	s16 =	sadd.s32 $0x3A80, s23;
	s17 =	sadd.s32 $0x750, s28  }
0x1c5: {  	[hbm4b:s17+s4] =	stream.linear.scatter [tilespmem:s16], [sflag:s26], $0x80, $0x38;
	[tilespmem:$0x18000] =	vst v63  }
0x1c6: {  	s18 =	sadd.s32 $0x3E80, s23;
	s31 =	sadd.s32 $0x7D0, s28  }
0x1c7: {  	[hbm4b:s31+s4] =	stream.linear.scatter [tilespmem:s18], [sflag:s26], $0x80, $0x38;
	[tilespmem:$0x18000] =	vst v63  }
0x1c8: {  	v1 =	vld [tilespmem:s29+$0x0]  }
0x1c9: {  	v2 =	vld [tilespmem:s30+$0x0]  }
0x1ca: {  	v0 =	vld [tilespmem:s30+$0xFFFFFF90]  }
0x1cb: {  	v3 =	vld [tilespmem:s29+$0xFFFFFFA0]  }
0x1cc: {  	v4 =	vld [tilespmem:s30+$0xFFFFFFA0]  }
0x1cd: {  	v5 =	vld [tilespmem:s29+$0xFFFFFFB0]  }
0x1ce: {  	v6 =	vld [tilespmem:s30+$0xFFFFFFB0]  }
0x1cf: {  	v7 =	vld [tilespmem:s29+$0xFFFFFFC0]  }
0x1d0: {  	v8 =	vld [tilespmem:s30+$0xFFFFFFC0]  }
0x1d1: {  	v9 =	vld [tilespmem:s29+$0xFFFFFFD0]  }
0x1d2: {  	v10 =	vld [tilespmem:s30+$0xFFFFFFD0];
	v2 =	vadd.f32 v2, v1  }
0x1d3: {  	v4 =	vadd.f32 v4, v3;
	v1 =	vld [tilespmem:s29+$0xFFFFFFE0]  }
0x1d4: {  	v5 =	vadd.f32 v6, v5;
	v3 =	vld [tilespmem:s30+$0xFFFFFFE0];
	[tilespmem:s29+$0x0] =	vst v2  }
0x1d5: {  	v6 =	vadd.f32 v8, v7;
	[tilespmem:s29+$0xFFFFFFA0] =	vst v4;
	v2 =	vld [tilespmem:s29+$0xFFFFFFF0]  }
0x1d6: {  	[tilespmem:s29+$0xFFFFFFB0] =	vst v5;
	v5 =	vld [tilespmem:s30+$0xFFFFFFF0]  }
0x1d7: {  	s0 =	simm.s32 $0x0;
	s2 =	sadd.s32 $0x400, s29;
	v4 =	vld [tilespmem:s29+$0xFFFFFF90];
	[tilespmem:s29+$0xFFFFFFC0] =	vst v6;
	v6 =	vadd.f32 v10, v9  }
.LBB2_15:
0x1d8: {  	v7 =	vld [tilespmem:s2+$0x0];
	s30 =	sadd.s32 $0x400, s30  }
0x1d9: {  	s0 =	sadd.s32 $0x80, s0;
	v8 =	vld [tilespmem:s30+$0x0];
	[tilespmem:s29+$0xFFFFFFD0] =	vst v6;
	v1 =	vadd.f32 v3, v1  }
0x1da: {  	p0 =	slt.u32 s0, $0x780;
	v3 =	vld [tilespmem:s30+$0xFFFFFF90]  }
0x1db: {  	v6 =	vld [tilespmem:s2+$0xFFFFFFA0];
	[tilespmem:s29+$0xFFFFFFE0] =	vst v1;
	v1 =	vadd.f32 v5, v2  }
0x1dc: {  	v2 =	vld [tilespmem:s30+$0xFFFFFFA0];
	v9 =	vadd.f32 v0, v4  }
0x1dd: {  	v4 =	vld [tilespmem:s2+$0xFFFFFFB0];
	[tilespmem:s29+$0xFFFFFFF0] =	vst v1  }
0x1de: {  	v1 =	vld [tilespmem:s30+$0xFFFFFFB0];
	v5 =	vadd.f32 v8, v7;
	[tilespmem:s29+$0xFFFFFF90] =	vst v9;
	s29 =	smov.u32 s2  }
0x1df: {  	v7 =	vld [tilespmem:s2+$0xFFFFFFC0];
	v0 =	vmov v3  }
0x1e0: {  	v8 =	vld [tilespmem:s30+$0xFFFFFFC0];
	[tilespmem:s2+$0x0] =	vst v5  }
0x1e1: {  	v2 =	vadd.f32 v2, v6;
	v6 =	vld [tilespmem:s2+$0xFFFFFFD0]  }
0x1e2: {  	v9 =	vld [tilespmem:s30+$0xFFFFFFD0]  }
.Ltmp6:
0x1e3: {  	[tilespmem:s2+$0xFFFFFFA0] =	vst v2;
	v2 =	vadd.f32 v1, v4;
	v1 =	vld [tilespmem:s2+$0xFFFFFFE0];
	(pc) =	sbr.rel @p0 .LBB2_15-.Ltmp6, $4  }
0x1e4: {  	v3 =	vld [tilespmem:s30+$0xFFFFFFE0]  }
0x1e5: {  	[tilespmem:s2+$0xFFFFFFB0] =	vst v2;
	v7 =	vadd.f32 v8, v7;
	v2 =	vld [tilespmem:s2+$0xFFFFFFF0]  }
0x1e6: {  	v5 =	vld [tilespmem:s30+$0xFFFFFFF0]  }
0x1e7: {  	s2 =	sadd.s32 $0x400, s2;
	v4 =	vld [tilespmem:s29+$0xFFFFFF90];
	[tilespmem:s29+$0xFFFFFFC0] =	vst v7;
	v6 =	vadd.f32 v9, v6  }
0x1e8: {  	_ =	sdelay $0x1  }
0x1e9: {  	v1 =	vadd.f32 v3, v1  }
0x1ea: {  	[tilespmem:s29+$0xFFFFFFD0] =	vst v6;
	v2 =	vadd.f32 v5, v2  }
0x1eb: {  	[tilespmem:s29+$0xFFFFFFE0] =	vst v1;
	v0 =	vadd.f32 v0, v4  }
0x1ec: {  	[tilespmem:s29+$0xFFFFFFF0] =	vst v2  }
0x1ed: {  	s0 =	sadd.s32 $0x60, s28;
	s2 =	sadd.s32 $0x300, s23;
	[tilespmem:s29+$0xFFFFFF90] =	vst v0  }
0x1ee: {  	[hbm4b:s0+s4] =	stream.linear.scatter [tilespmem:s2], [sflag:s26], $0x80, $0x38;
	[tilespmem:$0x18000] =	vst v63  }
0x1ef: {  	s30 =	sadd.s32 $0x700, s23;
	s31 =	sadd.s32 $0xE0, s28  }
0x1f0: {  	[hbm4b:s31+s4] =	stream.linear.scatter [tilespmem:s30], [sflag:s26], $0x80, $0x38;
	[tilespmem:$0x18000] =	vst v63  }
0x1f1: {  	s6 =	sadd.s32 $0xB00, s23;
	s7 =	sadd.s32 $0x160, s28  }
0x1f2: {  	[hbm4b:s7+s4] =	stream.linear.scatter [tilespmem:s6], [sflag:s26], $0x80, $0x38;
	[tilespmem:$0x18000] =	vst v63  }
0x1f3: {  	s8 =	sadd.s32 $0xF00, s23;
	s9 =	sadd.s32 $0x1E0, s28  }
0x1f4: {  	[hbm4b:s9+s4] =	stream.linear.scatter [tilespmem:s8], [sflag:s26], $0x80, $0x38;
	[tilespmem:$0x18000] =	vst v63  }
0x1f5: {  	s11 =	sadd.s32 $0x1300, s23;
	s13 =	sadd.s32 $0x260, s28  }
0x1f6: {  	[hbm4b:s13+s4] =	stream.linear.scatter [tilespmem:s11], [sflag:s26], $0x80, $0x38;
	[tilespmem:$0x18000] =	vst v63  }
0x1f7: {  	s14 =	sadd.s32 $0x1700, s23;
	s15 =	sadd.s32 $0x2E0, s28  }
0x1f8: {  	[hbm4b:s15+s4] =	stream.linear.scatter [tilespmem:s14], [sflag:s26], $0x80, $0x38;
	[tilespmem:$0x18000] =	vst v63  }
0x1f9: {  	s16 =	sadd.s32 $0x1B00, s23;
	s17 =	sadd.s32 $0x360, s28  }
0x1fa: {  	[hbm4b:s17+s4] =	stream.linear.scatter [tilespmem:s16], [sflag:s26], $0x80, $0x38;
	[tilespmem:$0x18000] =	vst v63  }
0x1fb: {  	s18 =	sadd.s32 $0x1F00, s23;
	s29 =	sadd.s32 $0x3E0, s28  }
0x1fc: {  	[hbm4b:s29+s4] =	stream.linear.scatter [tilespmem:s18], [sflag:s26], $0x80, $0x38;
	[tilespmem:$0x18000] =	vst v63  }
0x1fd: {  	s30 =	sadd.s32 $0x2300, s23;
	s31 =	sadd.s32 $0x460, s28  }
0x1fe: {  	[hbm4b:s31+s4] =	stream.linear.scatter [tilespmem:s30], [sflag:s26], $0x80, $0x38;
	[tilespmem:$0x18000] =	vst v63  }
0x1ff: {  	s6 =	sadd.s32 $0x2700, s23;
	s7 =	sadd.s32 $0x4E0, s28  }
0x200: {  	[hbm4b:s7+s4] =	stream.linear.scatter [tilespmem:s6], [sflag:s26], $0x80, $0x38;
	[tilespmem:$0x18000] =	vst v63  }
0x201: {  	s8 =	sadd.s32 $0x2B00, s23;
	s9 =	sadd.s32 $0x560, s28  }
0x202: {  	[hbm4b:s9+s4] =	stream.linear.scatter [tilespmem:s8], [sflag:s26], $0x80, $0x38;
	[tilespmem:$0x18000] =	vst v63  }
0x203: {  	s11 =	sadd.s32 $0x2F00, s23;
	s13 =	sadd.s32 $0x5E0, s28  }
0x204: {  	[hbm4b:s13+s4] =	stream.linear.scatter [tilespmem:s11], [sflag:s26], $0x80, $0x38;
	[tilespmem:$0x18000] =	vst v63  }
0x205: {  	s14 =	sadd.s32 $0x3300, s23;
	s15 =	sadd.s32 $0x660, s28  }
0x206: {  	[hbm4b:s15+s4] =	stream.linear.scatter [tilespmem:s14], [sflag:s26], $0x80, $0x38;
	[tilespmem:$0x18000] =	vst v63  }
0x207: {  	s16 =	sadd.s32 $0x3700, s23;
	s17 =	sadd.s32 $0x6E0, s28  }
0x208: {  	[hbm4b:s17+s4] =	stream.linear.scatter [tilespmem:s16], [sflag:s26], $0x80, $0x38;
	[tilespmem:$0x18000] =	vst v63  }
0x209: {  	s18 =	sadd.s32 $0x3B00, s23;
	s29 =	sadd.s32 $0x760, s28  }
0x20a: {  	[hbm4b:s29+s4] =	stream.linear.scatter [tilespmem:s18], [sflag:s26], $0x80, $0x38;
	[tilespmem:$0x18000] =	vst v63  }
0x20b: {  	s30 =	sadd.s32 $0x3F00, s23;
	s31 =	sadd.s32 $0x7E0, s28  }
0x20c: {  	[hbm4b:s31+s4] =	stream.linear.scatter [tilespmem:s30], [sflag:s26], $0x80, $0x38;
	[tilespmem:$0x18000] =	vst v63  }
0x20d: {  	v1 =	vld [tilespmem:s24+$0x0]  }
0x20e: {  	v2 =	vld [tilespmem:s25+$0x0]  }
0x20f: {  	v0 =	vld [tilespmem:s25+$0xFFFFFF90]  }
0x210: {  	v3 =	vld [tilespmem:s24+$0xFFFFFFA0]  }
0x211: {  	v4 =	vld [tilespmem:s25+$0xFFFFFFA0]  }
0x212: {  	v5 =	vld [tilespmem:s24+$0xFFFFFFB0]  }
0x213: {  	v6 =	vld [tilespmem:s25+$0xFFFFFFB0]  }
0x214: {  	v7 =	vld [tilespmem:s24+$0xFFFFFFC0]  }
0x215: {  	v8 =	vld [tilespmem:s25+$0xFFFFFFC0]  }
0x216: {  	v9 =	vld [tilespmem:s24+$0xFFFFFFD0]  }
0x217: {  	v10 =	vld [tilespmem:s25+$0xFFFFFFD0];
	v2 =	vadd.f32 v2, v1  }
0x218: {  	v4 =	vadd.f32 v4, v3;
	v1 =	vld [tilespmem:s24+$0xFFFFFFE0]  }
0x219: {  	v5 =	vadd.f32 v6, v5;
	v3 =	vld [tilespmem:s25+$0xFFFFFFE0];
	[tilespmem:s24+$0x0] =	vst v2  }
0x21a: {  	v6 =	vadd.f32 v8, v7;
	[tilespmem:s24+$0xFFFFFFA0] =	vst v4;
	v2 =	vld [tilespmem:s24+$0xFFFFFFF0]  }
0x21b: {  	[tilespmem:s24+$0xFFFFFFB0] =	vst v5;
	v5 =	vld [tilespmem:s25+$0xFFFFFFF0]  }
0x21c: {  	s0 =	simm.s32 $0x0;
	s2 =	sadd.s32 $0x400, s24;
	v4 =	vld [tilespmem:s24+$0xFFFFFF90];
	[tilespmem:s24+$0xFFFFFFC0] =	vst v6;
	v6 =	vadd.f32 v10, v9  }
.LBB2_17:
0x21d: {  	v7 =	vld [tilespmem:s2+$0x0];
	s25 =	sadd.s32 $0x400, s25  }
0x21e: {  	s0 =	sadd.s32 $0x80, s0;
	v8 =	vld [tilespmem:s25+$0x0];
	[tilespmem:s24+$0xFFFFFFD0] =	vst v6;
	v1 =	vadd.f32 v3, v1  }
0x21f: {  	p0 =	slt.u32 s0, $0x780;
	v3 =	vld [tilespmem:s25+$0xFFFFFF90]  }
0x220: {  	v6 =	vld [tilespmem:s2+$0xFFFFFFA0];
	[tilespmem:s24+$0xFFFFFFE0] =	vst v1;
	v1 =	vadd.f32 v5, v2  }
0x221: {  	v2 =	vld [tilespmem:s25+$0xFFFFFFA0];
	v9 =	vadd.f32 v0, v4  }
0x222: {  	v4 =	vld [tilespmem:s2+$0xFFFFFFB0];
	[tilespmem:s24+$0xFFFFFFF0] =	vst v1  }
0x223: {  	v1 =	vld [tilespmem:s25+$0xFFFFFFB0];
	v5 =	vadd.f32 v8, v7;
	[tilespmem:s24+$0xFFFFFF90] =	vst v9;
	s24 =	smov.u32 s2  }
0x224: {  	v7 =	vld [tilespmem:s2+$0xFFFFFFC0];
	v0 =	vmov v3  }
0x225: {  	v8 =	vld [tilespmem:s25+$0xFFFFFFC0];
	[tilespmem:s2+$0x0] =	vst v5  }
0x226: {  	v2 =	vadd.f32 v2, v6;
	v6 =	vld [tilespmem:s2+$0xFFFFFFD0]  }
0x227: {  	v9 =	vld [tilespmem:s25+$0xFFFFFFD0]  }
.Ltmp7:
0x228: {  	[tilespmem:s2+$0xFFFFFFA0] =	vst v2;
	v2 =	vadd.f32 v1, v4;
	v1 =	vld [tilespmem:s2+$0xFFFFFFE0];
	(pc) =	sbr.rel @p0 .LBB2_17-.Ltmp7, $4  }
0x229: {  	v3 =	vld [tilespmem:s25+$0xFFFFFFE0]  }
0x22a: {  	[tilespmem:s2+$0xFFFFFFB0] =	vst v2;
	v7 =	vadd.f32 v8, v7;
	v2 =	vld [tilespmem:s2+$0xFFFFFFF0]  }
0x22b: {  	v5 =	vld [tilespmem:s25+$0xFFFFFFF0]  }
0x22c: {  	s2 =	sadd.s32 $0x400, s2;
	v4 =	vld [tilespmem:s24+$0xFFFFFF90];
	[tilespmem:s24+$0xFFFFFFC0] =	vst v7;
	v6 =	vadd.f32 v9, v6  }
0x22d: {  	_ =	sdelay $0x1  }
0x22e: {  	v1 =	vadd.f32 v3, v1  }
0x22f: {  	[tilespmem:s24+$0xFFFFFFD0] =	vst v6;
	v2 =	vadd.f32 v5, v2  }
0x230: {  	[tilespmem:s24+$0xFFFFFFE0] =	vst v1;
	v0 =	vadd.f32 v0, v4  }
0x231: {  	[tilespmem:s24+$0xFFFFFFF0] =	vst v2  }
0x232: {  	s0 =	sadd.s32 $0x70, s28;
	s2 =	sadd.s32 $0x380, s23;
	[tilespmem:s24+$0xFFFFFF90] =	vst v0  }
0x233: {  	[hbm4b:s0+s4] =	stream.linear.scatter [tilespmem:s2], [sflag:s26], $0x80, $0x38;
	[tilespmem:$0x18000] =	vst v63  }
0x234: {  	s8 =	sadd.s32 $0x780, s23;
	s9 =	sadd.s32 $0xF0, s28  }
0x235: {  	[hbm4b:s9+s4] =	stream.linear.scatter [tilespmem:s8], [sflag:s26], $0x80, $0x38;
	[tilespmem:$0x18000] =	vst v63  }
0x236: {  	s11 =	sadd.s32 $0xB80, s23;
	s13 =	sadd.s32 $0x170, s28  }
0x237: {  	[hbm4b:s13+s4] =	stream.linear.scatter [tilespmem:s11], [sflag:s26], $0x80, $0x38;
	[tilespmem:$0x18000] =	vst v63  }
0x238: {  	s14 =	sadd.s32 $0xF80, s23;
	s15 =	sadd.s32 $0x1F0, s28  }
0x239: {  	[hbm4b:s15+s4] =	stream.linear.scatter [tilespmem:s14], [sflag:s26], $0x80, $0x38;
	[tilespmem:$0x18000] =	vst v63  }
0x23a: {  	s16 =	sadd.s32 $0x1380, s23;
	s17 =	sadd.s32 $0x270, s28  }
0x23b: {  	[hbm4b:s17+s4] =	stream.linear.scatter [tilespmem:s16], [sflag:s26], $0x80, $0x38;
	[tilespmem:$0x18000] =	vst v63  }
0x23c: {  	s18 =	sadd.s32 $0x1780, s23;
	s24 =	sadd.s32 $0x2F0, s28  }
0x23d: {  	[hbm4b:s24+s4] =	stream.linear.scatter [tilespmem:s18], [sflag:s26], $0x80, $0x38;
	[tilespmem:$0x18000] =	vst v63  }
0x23e: {  	s25 =	sadd.s32 $0x1B80, s23;
	s29 =	sadd.s32 $0x370, s28  }
0x23f: {  	[hbm4b:s29+s4] =	stream.linear.scatter [tilespmem:s25], [sflag:s26], $0x80, $0x38;
	[tilespmem:$0x18000] =	vst v63  }
0x240: {  	s30 =	sadd.s32 $0x1F80, s23;
	s31 =	sadd.s32 $0x3F0, s28  }
0x241: {  	[hbm4b:s31+s4] =	stream.linear.scatter [tilespmem:s30], [sflag:s26], $0x80, $0x38;
	[tilespmem:$0x18000] =	vst v63  }
0x242: {  	s6 =	sadd.s32 $0x2380, s23;
	s7 =	sadd.s32 $0x470, s28  }
0x243: {  	[hbm4b:s7+s4] =	stream.linear.scatter [tilespmem:s6], [sflag:s26], $0x80, $0x38;
	[tilespmem:$0x18000] =	vst v63  }
0x244: {  	s8 =	sadd.s32 $0x2780, s23;
	s9 =	sadd.s32 $0x4F0, s28  }
0x245: {  	[hbm4b:s9+s4] =	stream.linear.scatter [tilespmem:s8], [sflag:s26], $0x80, $0x38;
	[tilespmem:$0x18000] =	vst v63  }
0x246: {  	s11 =	sadd.s32 $0x2B80, s23;
	s13 =	sadd.s32 $0x570, s28  }
0x247: {  	[hbm4b:s13+s4] =	stream.linear.scatter [tilespmem:s11], [sflag:s26], $0x80, $0x38;
	[tilespmem:$0x18000] =	vst v63  }
0x248: {  	s14 =	sadd.s32 $0x2F80, s23;
	s15 =	sadd.s32 $0x5F0, s28  }
0x249: {  	[hbm4b:s15+s4] =	stream.linear.scatter [tilespmem:s14], [sflag:s26], $0x80, $0x38;
	[tilespmem:$0x18000] =	vst v63  }
0x24a: {  	s22 =	sadd.s32 $0x1, s22;
	s16 =	sadd.s32 $0x3380, s23;
	s17 =	sadd.s32 $0x670, s28  }
0x24b: {  	[hbm4b:s17+s4] =	stream.linear.scatter [tilespmem:s16], [sflag:s26], $0x80, $0x38;
	[tilespmem:$0x18000] =	vst v63  }
0x24c: {  	p0 =	sne.s32 s22, $0x40;
	s18 =	sadd.s32 $0x3780, s23;
	s24 =	sadd.s32 $0x6F0, s28  }
0x24d: {  	[hbm4b:s24+s4] =	stream.linear.scatter [tilespmem:s18], [sflag:s26], $0x80, $0x38;
	[tilespmem:$0x18000] =	vst v63  }
.Ltmp8:
0x24e: {  	_ = 	snop;
	(pc) =	sbr.rel @p0 .LBB2_2-.Ltmp8, $4  }
0x24f: {  	s25 =	sadd.s32 $0x3B80, s23;
	s29 =	sadd.s32 $0x770, s28  }
0x250: {  	[hbm4b:s29+s4] =	stream.linear.scatter [tilespmem:s25], [sflag:s26], $0x80, $0x38;
	[tilespmem:$0x18000] =	vst v63  }
0x251: {  	s21 =	sadd.s32 $0x1, s21;
	s30 =	sadd.s32 $0x3F80, s23;
	s31 =	sadd.s32 $0x7F0, s28  }
0x252: {  	[hbm4b:s31+s4] =	stream.linear.scatter [tilespmem:s30], [sflag:s26], $0x80, $0x38;
	[tilespmem:$0x18000] =	vst v63  }
0x253: {  	s0 =	simm.s32 $0x5  }
0x254: {  	_ =	swait.ge [sflag:s0], $0x4000  }
0x255: {  	[sflag:s0] =	ssyncset.done $0x0  }
0x256: {  	s29 =	simm.s32 $0x6;
	[sflag:s0] =	ssyncadd.s32 $0xFFFFC000  }
0x257: {  	_ =	swait.ge [sflag:s29], $0x4000  }
0x258: {  	[sflag:s29] =	ssyncset.done $0x0  }
0x259: {  	s30 =	simm.s32 $0x7;
	[sflag:s29] =	ssyncadd.s32 $0xFFFFC000  }
0x25a: {  	_ =	swait.ge [sflag:s30], $0x4000  }
0x25b: {  	[sflag:s30] =	ssyncset.done $0x0  }
0x25c: {  	[sflag:s30] =	ssyncadd.s32 $0xFFFFC000  }
0x25d: {  	_ =	swait.ge [sflag:s19], $0x4000  }
0x25e: {  	s20 =	sadd.s32 $0x1, s20;
	s31 =	rddreg [dreg:$0x8]  }
0x25f: {  	p0 =	sne.s32 s20, s31  }
.Ltmp9:
0x260: {  	_ = 	snop;
	(pc) =	sbr.rel @p0 .LBB2_1-.Ltmp9, $3  }
0x261: {  	_ =	sdelay $0x1  }
0x262: {  	[sflag:s19] =	ssyncset.done $0x0  }
0x263: {  	[sflag:s19] =	ssyncadd.s32 $0xFFFFC000  }
0x264: {  	_ =	sfence.sel $0x180000  }
0x265: {  	[bflag:$0x0] =	sbarrier.arrive $0xFFFF  }
0x266: {  	_ =	strace $0x90000047  }
0x267: {  	s0 =	stileid.u32;
	[bflag:$0x2] =	sbarrier.arrive $0xFFFF  }
0x268: {  	p0 =	sne.s32 s0, $0x0;
	s0 =	rddreg [dreg:$0x3]  }
0x269: {  	s0 =	sadd.s32 @!p0 $0x100000, s0  }
0x26a: {  	[sflag:s0] =	ssyncadd.tile.s32 @!p0 $0x1;
	_ =	shalt  }
.Lfunc_end2:
_tile_overlayer_lowered:
.L_overlay_start_2:
0x26b: {  	(tag) =	ssettag $0x2  }
0x26c: {  	s0 =	rddreg [dreg:$0x0];
	s2 =	stileid.u32  }
0x26d: {  	s1 =	rddreg [dreg:$0x1];
	p0 =	sne.s32 s2, $0x0  }
0x26e: {  	s3 =	rddreg [dreg:$0x2];
	[bflag:$0x3] =	sbarrier.arrive $0xFFFF;
	s2 =	simm.s32 @!p0 $0x1C0B  }
0x26f: {  	[timem:s3], [sflag:s2] =	dma.local @!p0 [hbm:s0], s1  }
0x270: {  	s0 =	simm.s32 @!p0 $0xB  }
0x271: {  	_ =	swait.ge @!p0 [sflag:s0], s1  }
0x272: {  	s1 =	ssub.s32 @!p0 $0x0, s1;
	[sflag:s0] =	ssyncset.done @!p0 $0x0  }
0x273: {  	[sflag:s0] =	ssyncadd.s32 @!p0 s1  }
0x274: {  	[bflag:$0x3] =	sbarrier.arrive $0xFFFF  }
0x275: {  	_ =	shalt  }

</sc_bundles>
